<compile_context>
chip_gen: v7x
topology: tpu7x:2x2x1
jax: 0.10.2.dev20260603
libtpu: 0.0.44.dev20260713+nightly
codegen_flags: <defaults>
</compile_context>

<pallas_src>
import functools

import jax
import jax.numpy as jnp
from jax import lax
from jax.experimental import pallas as pl
from jax.experimental.pallas import tpu as pltpu
from jax.experimental.pallas import tpu_sc as plsc

N = 10000
NP = 10240
D = 128
E = 320000
NC = 2
NS = 16
NW = NC * NS
CPS = D // NC
CH = 256
TCH = 79
EPT = TCH * CH
EP = NS * EPT
DCH = 80
EPW = E // NW
NCH = EPW // DCH
RPT = NP // NS
ZR = 128

_mesh = plsc.VectorSubcoreMesh(core_axis_name="c", subcore_axis_name="s")
_sc_params = pltpu.CompilerParams(use_tc_tiling_on_sc=False)


@functools.partial(
    pl.kernel,
    out_type=jax.ShapeDtypeStruct((NC, 1, NP), jnp.float32),
    mesh=_mesh,
    scratch_types=[
        pltpu.VMEM((DCH,), jnp.float32),
        pltpu.VMEM((NCH, DCH), jnp.int32),
        pltpu.VMEM((RPT,), jnp.float32),
        pltpu.VMEM_SHARED((NP,), jnp.float32),
    ],
    compiler_params=_sc_params,
)
def _deg_kernel(dst_hbm, degp_hbm, ones_v, idx_v, zv, deg_sh):
    cid = lax.axis_index("c")
    sid = lax.axis_index("s")
    wid = sid * NC + cid

    for i in range(DCH // 16):
        ones_v[pl.ds(i * 16, 16)] = jnp.ones((16,), jnp.float32)

    def _zz(i, _):
        zv[pl.ds(i * 16, 16)] = jnp.zeros((16,), jnp.float32)
        return 0

    lax.fori_loop(0, RPT // 16, _zz, 0)
    pltpu.sync_copy(zv, deg_sh.at[pl.ds(sid * RPT, RPT)])
    plsc.subcore_barrier()

    pltpu.sync_copy(dst_hbm.at[wid], idx_v)

    def _body(j, _):
        pltpu.sync_copy(ones_v, deg_sh.at[idx_v.at[j]], add=True)
        return 0

    lax.fori_loop(0, NCH, _body, 0)
    plsc.subcore_barrier()

    pltpu.sync_copy(deg_sh.at[pl.ds(sid * RPT, RPT)],
                    degp_hbm.at[cid, 0, pl.ds(sid * RPT, RPT)])


@functools.partial(
    pl.kernel,
    out_type=jax.ShapeDtypeStruct((NC, NP, CPS), jnp.float32),
    mesh=_mesh,
    scratch_types=[
        pltpu.VMEM((TCH, CH), jnp.int32),
        pltpu.VMEM((TCH, CH), jnp.int32),
        pltpu.VMEM((2, CH, CPS), jnp.float32),
        pltpu.VMEM((ZR, CPS), jnp.float32),
        pltpu.VMEM_SHARED((NP, CPS), jnp.float32),
        pltpu.SemaphoreType.DMA((2,)),
    ],
    compiler_params=_sc_params,
)
def _agg_kernel(ghf_hbm, srcb_hbm, dst_hbm, agg_hbm,
                sidx_v, didx_v, rows_v, zv, acc_sh, gsem):
    cid = lax.axis_index("c")
    sid = lax.axis_index("s")

    def _zz(i, _):
        for c in range(CPS // 16):
            zv[i, pl.ds(c * 16, 16)] = jnp.zeros((16,), jnp.float32)
        return 0

    lax.fori_loop(0, ZR, _zz, 0)
    for t in range(RPT // ZR):
        pltpu.sync_copy(zv, acc_sh.at[pl.ds(sid * RPT + t * ZR, ZR)])
    plsc.subcore_barrier()

    pltpu.sync_copy(srcb_hbm.at[cid, sid], sidx_v)
    pltpu.sync_copy(dst_hbm.at[sid], didx_v)

    NSC = TCH

    def _sidx(j):
        return sidx_v.at[j]

    def _didx(j):
        return didx_v.at[j]

    for b in range(2):
        pltpu.async_copy(ghf_hbm.at[_sidx(b)], rows_v.at[b], gsem.at[b])

    def _step(j, b, issue_gather):
        pltpu.make_async_copy(
            ghf_hbm.at[_sidx(j)], rows_v.at[b], gsem.at[b]).wait()
        pltpu.sync_copy(rows_v.at[b], acc_sh.at[_didx(j)], add=True)
        if issue_gather:
            @pl.when(j + 2 < NSC)
            def _():
                pltpu.async_copy(
                    ghf_hbm.at[_sidx(j + 2)], rows_v.at[b], gsem.at[b])

    def _pair(p, _):
        for b in range(2):
            _step(2 * p + b, b, True)
        return 0

    lax.fori_loop(0, NSC // 2, _pair, 0)
    _step(NSC - 1, (NSC - 1) % 2, False)
    plsc.subcore_barrier()

    pltpu.sync_copy(acc_sh.at[pl.ds(sid * RPT, RPT)],
                    agg_hbm.at[cid, pl.ds(sid * RPT, RPT)])


BLK = 2000
GRID = N // BLK


def _dinv(degt_ref):
    deg = degt_ref[:, 0:1] + degt_ref[:, 1:2] + 1.0
    return lax.rsqrt(deg)


def _tc1_body(degt_ref, x_ref, w_ref, g_ref):
    dinv = _dinv(degt_ref)
    h = jnp.dot(x_ref[...], w_ref[...], preferred_element_type=jnp.float32)
    g_ref[0] = h[:, :CPS] * dinv
    g_ref[1] = h[:, CPS:] * dinv


def _tc2_body(degt_ref, agg_ref, g_ref, b_ref, w_ref, out_ref):
    dinv = _dinv(degt_ref)
    a = jnp.concatenate([agg_ref[0] + g_ref[0], agg_ref[1] + g_ref[1]], axis=1)
    h1 = jnp.maximum(a * dinv + b_ref[...], 0.0)
    h2 = jnp.dot(h1, w_ref[...], preferred_element_type=jnp.float32)
    out_ref[0] = h2[:, :CPS] * dinv
    out_ref[1] = h2[:, CPS:] * dinv


def _tc3_body(degt_ref, agg_ref, g_ref, b_ref, out_ref):
    dinv = _dinv(degt_ref)
    a = jnp.concatenate([agg_ref[0] + g_ref[0], agg_ref[1] + g_ref[1]], axis=1)
    out_ref[...] = a * dinv + b_ref[...]


_deg_spec = pl.BlockSpec((BLK, NC), lambda i: (i, 0))
_x_spec = pl.BlockSpec((BLK, D), lambda i: (i, 0))
_w_spec = pl.BlockSpec((D, D), lambda i: (0, 0))
_pair_spec = pl.BlockSpec((NC, BLK, CPS), lambda i: (0, i, 0))
_bias_spec = pl.BlockSpec((1, D), lambda i: (0, 0))
_out_spec = pl.BlockSpec((BLK, D), lambda i: (i, 0))

_tc1 = pl.pallas_call(
    _tc1_body,
    grid=(GRID,),
    in_specs=[_deg_spec, _x_spec, _w_spec],
    out_specs=_pair_spec,
    out_shape=jax.ShapeDtypeStruct((NC, N, CPS), jnp.float32),
)

_tc2 = pl.pallas_call(
    _tc2_body,
    grid=(GRID,),
    in_specs=[_deg_spec, _pair_spec, _pair_spec, _bias_spec, _w_spec],
    out_specs=_pair_spec,
    out_shape=jax.ShapeDtypeStruct((NC, N, CPS), jnp.float32),
)

_tc3 = pl.pallas_call(
    _tc3_body,
    grid=(GRID,),
    in_specs=[_deg_spec, _pair_spec, _pair_spec, _bias_spec],
    out_specs=_out_spec,
    out_shape=jax.ShapeDtypeStruct((N, D), jnp.float32),
)


def kernel(x, edge_index, W1, b1, W2, b2):
    ei = edge_index.astype(jnp.int32)
    pad = EP - E
    srcp = jnp.concatenate([ei[0], jnp.zeros((pad,), jnp.int32)])
    dstp = jnp.concatenate(
        [ei[1], N + jnp.arange(pad, dtype=jnp.int32) % (NP - N)])
    src3 = srcp.reshape(NS, TCH, CH)
    srcb = jnp.stack([src3, src3 + N])
    dst3 = dstp.reshape(NS, TCH, CH)
    dstw = ei[1].reshape(NW, NCH, DCH)
    b1r = b1.reshape(1, D)
    b2r = b2.reshape(1, D)

    degp = _deg_kernel(dstw)
    degt = degp.reshape(NC, NP)[:, :N].T

    g1 = _tc1(degt, x, W1)
    agg1 = _agg_kernel(g1.reshape(NC * N, CPS), srcb, dst3)
    g2 = _tc2(degt, agg1, g1, b1r, W2)
    agg2 = _agg_kernel(g2.reshape(NC * N, CPS), srcb, dst3)
    out = _tc3(degt, agg2, g2, b2r)
    return out

# --- scband reference (transcript-rebuilt; emitter-appended) ---
"""Pipeline reference for scband-gcn-46308337386171 (READ-ONLY COPY).

The authoritative reference and input builder live on the scoring server;
editing this copy changes nothing except your own understanding.
"""

import jax, jax.numpy as jnp
import numpy as np

N_NODES = 10000
IN_CH = 128
HID_CH = 128
OUT_CH = 128


def setup_inputs(seed: int = 0) -> dict:
    key = jax.random.key(seed)
    k1, k2, k3, k4, k5, k6 = jax.random.split(key, 6)
    x = jax.random.normal(k1, (N_NODES, IN_CH), dtype=jnp.float32)
    edge_index = jax.random.randint(k2, (2, 320000), 0, N_NODES, dtype=jnp.int64)
    # Glorot-style init for GCNConv linear weights, zeros for biases (PyG default)
    W1 = jax.random.normal(k3, (IN_CH, HID_CH), dtype=jnp.float32) * (1.0 / np.sqrt(IN_CH))
    b1 = jnp.zeros((HID_CH,), dtype=jnp.float32)
    W2 = jax.random.normal(k4, (HID_CH, OUT_CH), dtype=jnp.float32) * (1.0 / np.sqrt(HID_CH))
    b2 = jnp.zeros((OUT_CH,), dtype=jnp.float32)
    return {"x": x, "edge_index": edge_index, "W1": W1, "b1": b1, "W2": W2, "b2": b2}


def gcn_conv(x, edge_index, W, b, num_nodes):
    # x' = D^{-1/2} (A + I) D^{-1/2} X W + b  (PyG GCNConv, normalize=True, add_self_loops=True)
    h = x @ W
    src = edge_index[0]
    dst = edge_index[1]
    loop = jnp.arange(num_nodes, dtype=src.dtype)
    src = jnp.concatenate([src, loop])
    dst = jnp.concatenate([dst, loop])
    ew = jnp.ones(src.shape[0], dtype=h.dtype)
    deg = jnp.zeros((num_nodes,), dtype=h.dtype).at[dst].add(ew)
    deg_inv_sqrt = jnp.where(deg > 0, jax.lax.rsqrt(jnp.where(deg > 0, deg, 1.0)), 0.0)
    norm = deg_inv_sqrt[src] * ew * deg_inv_sqrt[dst]
    msgs = h[src] * norm[:, None]
    out = jnp.zeros((num_nodes, W.shape[1]), dtype=h.dtype).at[dst].add(msgs)
    return out + b


def reference(x, edge_index, W1, b1, W2, b2):
    num_nodes = x.shape[0]
    h = gcn_conv(x, edge_index, W1, b1, num_nodes)
    h = jax.nn.relu(h)
    # dropout is identity in eval mode
    out = gcn_conv(h, edge_index, W2, b2, num_nodes)
    return out

if __name__ == "__main__":
    import jax
    _d = setup_inputs()
    print(jax.jit(kernel)(*tuple(_d.values())))

</pallas_src>

<mosaic_0001>
#map = affine_map<(d0, d1) -> (0, 0)>
#map1 = affine_map<(d0, d1) -> (0, 0, 0, 0)>
#map2 = affine_map<(d0, d1) -> (0, 0, 0)>
module attributes {stable_mosaic.version = 14 : i64} {
  func.func @_agg_kernel(%arg0: i32, %arg1: i32, %arg2: memref<20000x64xf32, #tpu.memory_space<hbm>>, %arg3: memref<2x16x79x256xi32, #tpu.memory_space<hbm>>, %arg4: memref<16x79x256xi32, #tpu.memory_space<hbm>>, %arg5: memref<2x10240x64xf32, #tpu.memory_space<hbm>>, %arg6: memref<79x256xi32, #tpu.memory_space<vmem>>, %arg7: memref<79x256xi32, #tpu.memory_space<vmem>>, %arg8: memref<2x256x64xf32, #tpu.memory_space<vmem>>, %arg9: memref<128x64xf32, #tpu.memory_space<vmem>>, %arg10: memref<10240x64xf32, #tpu.memory_space<vmem_shared>>, %arg11: memref<2x!tpu.dma_semaphore, #tpu.memory_space<semaphore_mem>>) attributes {dimension_semantics = [#tpu.dimension_semantics<core_parallel>, #tpu.dimension_semantics<subcore_parallel>], iteration_bounds = array<i64: 2, 16>, scalar_prefetch = 0 : i64, scratch_operands = 6 : i64, tpu.core_type = #tpu.core_type<sc_vector_subcore>, window_params = [{transform_indices = #map}, {transform_indices = #map1}, {transform_indices = #map2}, {transform_indices = #map2}]} {
    %scan3A = arith.constant 0 : i32
    %scan3A_0 = arith.constant 0 : i32
    %scan3A_1 = arith.constant 128 : i32
    %scan3A_2 = arith.addi %scan3A_0, %scan3A_1 : i32
    %scan3A_3 = arith.constant 1 : i32
    %scan3A_4 = scf.for %scan3A_80 = %scan3A_0 to %scan3A_2 step %scan3A_3 iter_args(%scan3A_81 = %scan3A) -> (i32)  : i32 {
      %broadcast_in_dim3A = arith.constant 0.000000e+00 : f32
      %broadcast_in_dim3A_82 = vector.broadcast %broadcast_in_dim3A : f32 to vector<16xf32>
      %swap3A = arith.index_cast %scan3A_80 : i32 to index
      %swap3A_83 = arith.constant 0 : index
      %swap3A_84 = tpu.vector_load %arg9[%swap3A, %swap3A_83] {strides = array<i32>} : memref<128x64xf32, #tpu.memory_space<vmem>>, vector<1x16xf32>,
      %swap3A_85 = vector.shape_cast %swap3A_84 : vector<1x16xf32> to vector<16xf32>
      %swap3A_86 = vector.shape_cast %broadcast_in_dim3A_82 : vector<16xf32> to vector<1x16xf32>
      tpu.vector_store %arg9[%swap3A, %swap3A_83], %swap3A_86 {strides = array<i32>} : memref<128x64xf32, #tpu.memory_space<vmem>>, vector<1x16xf32>,
      %broadcast_in_dim3A_87 = arith.constant 0.000000e+00 : f32
      %broadcast_in_dim3A_88 = vector.broadcast %broadcast_in_dim3A_87 : f32 to vector<16xf32>
      %swap3A_89 = arith.index_cast %scan3A_80 : i32 to index
      %swap3A_90 = arith.constant 16 : index
      %swap3A_91 = tpu.vector_load %arg9[%swap3A_89, %swap3A_90] {strides = array<i32>} : memref<128x64xf32, #tpu.memory_space<vmem>>, vector<1x16xf32>,
      %swap3A_92 = vector.shape_cast %swap3A_91 : vector<1x16xf32> to vector<16xf32>
      %swap3A_93 = vector.shape_cast %broadcast_in_dim3A_88 : vector<16xf32> to vector<1x16xf32>
      tpu.vector_store %arg9[%swap3A_89, %swap3A_90], %swap3A_93 {strides = array<i32>} : memref<128x64xf32, #tpu.memory_space<vmem>>, vector<1x16xf32>,
      %broadcast_in_dim3A_94 = arith.constant 0.000000e+00 : f32
      %broadcast_in_dim3A_95 = vector.broadcast %broadcast_in_dim3A_94 : f32 to vector<16xf32>
      %swap3A_96 = arith.index_cast %scan3A_80 : i32 to index
      %swap3A_97 = arith.constant 32 : index
      %swap3A_98 = tpu.vector_load %arg9[%swap3A_96, %swap3A_97] {strides = array<i32>} : memref<128x64xf32, #tpu.memory_space<vmem>>, vector<1x16xf32>,
      %swap3A_99 = vector.shape_cast %swap3A_98 : vector<1x16xf32> to vector<16xf32>
      %swap3A_100 = vector.shape_cast %broadcast_in_dim3A_95 : vector<16xf32> to vector<1x16xf32>
      tpu.vector_store %arg9[%swap3A_96, %swap3A_97], %swap3A_100 {strides = array<i32>} : memref<128x64xf32, #tpu.memory_space<vmem>>, vector<1x16xf32>,
      %broadcast_in_dim3A_101 = arith.constant 0.000000e+00 : f32
      %broadcast_in_dim3A_102 = vector.broadcast %broadcast_in_dim3A_101 : f32 to vector<16xf32>
      %swap3A_103 = arith.index_cast %scan3A_80 : i32 to index
      %swap3A_104 = arith.constant 48 : index
      %swap3A_105 = tpu.vector_load %arg9[%swap3A_103, %swap3A_104] {strides = array<i32>} : memref<128x64xf32, #tpu.memory_space<vmem>>, vector<1x16xf32>,
      %swap3A_106 = vector.shape_cast %swap3A_105 : vector<1x16xf32> to vector<16xf32>
      %swap3A_107 = vector.shape_cast %broadcast_in_dim3A_102 : vector<16xf32> to vector<1x16xf32>
      tpu.vector_store %arg9[%swap3A_103, %swap3A_104], %swap3A_107 {strides = array<i32>} : memref<128x64xf32, #tpu.memory_space<vmem>>, vector<1x16xf32>,
      %scan3A_108 = arith.constant 0 : i32
      scf.yield %scan3A_108 : i32
    }
    %scan3A_5 = arith.constant 128 : i32
    %mul3A = arith.constant 640 : i32
    %mul3A_6 = arith.muli %arg1, %mul3A : i32
    %add3A = arith.constant 0 : i32
    %add3A_7 = arith.addi %mul3A_6, %add3A : i32
    "tpu.region"() ({
      %run_scoped3A_80 = tpu.sem_alloc : memref<!tpu.dma_semaphore, #tpu.memory_space<semaphore_mem>>
      %dma_start3A_81 = arith.constant 0 : i32
      %dma_start3A_82 = tpu.memref_slice %arg10[%add3A_7, %dma_start3A_81] : memref<10240x64xf32, #tpu.memory_space<vmem_shared>> -> memref<128x64xf32, #tpu.memory_space<vmem_shared>>
      %dma_start3A_83 = arith.constant 0 : i32
      %dma_start3A_84 = tpu.memref_slice %arg10[%add3A_7, %dma_start3A_83] : memref<10240x64xf32, #tpu.memory_space<vmem_shared>> -> memref<128x64xf32, #tpu.memory_space<vmem_shared>>
      tpu.enqueue_dma source(%arg9 : memref<128x64xf32, #tpu.memory_space<vmem>>) target(%dma_start3A_84 : memref<128x64xf32, #tpu.memory_space<vmem_shared>>) target_semaphore(%run_scoped3A_80 : memref<!tpu.dma_semaphore, #tpu.memory_space<semaphore_mem>>)
      %dma_wait3A_85 = arith.constant 0 : i32
      %dma_wait3A_86 = tpu.memref_slice %arg10[%add3A_7, %dma_wait3A_85] : memref<10240x64xf32, #tpu.memory_space<vmem_shared>> -> memref<128x64xf32, #tpu.memory_space<vmem_shared>>
      %dma_wait3A_87 = arith.constant 0 : i32
      %dma_wait3A_88 = tpu.memref_slice %arg10[%add3A_7, %dma_wait3A_87] : memref<10240x64xf32, #tpu.memory_space<vmem_shared>> -> memref<128x64xf32, #tpu.memory_space<vmem_shared>>
      tpu.wait_dma2 semaphore(%run_scoped3A_80 : memref<!tpu.dma_semaphore, #tpu.memory_space<semaphore_mem>>) src(%arg9 : memref<128x64xf32, #tpu.memory_space<vmem>>) dst(%dma_wait3A_88 : memref<128x64xf32, #tpu.memory_space<vmem_shared>>)
      tpu.yield
    }) : () -> ()
    %mul3A_8 = arith.constant 640 : i32
    %mul3A_9 = arith.muli %arg1, %mul3A_8 : i32
    %add3A_10 = arith.constant 128 : i32
    %add3A_11 = arith.addi %mul3A_9, %add3A_10 : i32
    "tpu.region"() ({
      %run_scoped3A_80 = tpu.sem_alloc : memref<!tpu.dma_semaphore, #tpu.memory_space<semaphore_mem>>
      %dma_start3A_81 = arith.constant 0 : i32
      %dma_start3A_82 = tpu.memref_slice %arg10[%add3A_11, %dma_start3A_81] : memref<10240x64xf32, #tpu.memory_space<vmem_shared>> -> memref<128x64xf32, #tpu.memory_space<vmem_shared>>
      %dma_start3A_83 = arith.constant 0 : i32
      %dma_start3A_84 = tpu.memref_slice %arg10[%add3A_11, %dma_start3A_83] : memref<10240x64xf32, #tpu.memory_space<vmem_shared>> -> memref<128x64xf32, #tpu.memory_space<vmem_shared>>
      tpu.enqueue_dma source(%arg9 : memref<128x64xf32, #tpu.memory_space<vmem>>) target(%dma_start3A_84 : memref<128x64xf32, #tpu.memory_space<vmem_shared>>) target_semaphore(%run_scoped3A_80 : memref<!tpu.dma_semaphore, #tpu.memory_space<semaphore_mem>>)
      %dma_wait3A_85 = arith.constant 0 : i32
      %dma_wait3A_86 = tpu.memref_slice %arg10[%add3A_11, %dma_wait3A_85] : memref<10240x64xf32, #tpu.memory_space<vmem_shared>> -> memref<128x64xf32, #tpu.memory_space<vmem_shared>>
      %dma_wait3A_87 = arith.constant 0 : i32
      %dma_wait3A_88 = tpu.memref_slice %arg10[%add3A_11, %dma_wait3A_87] : memref<10240x64xf32, #tpu.memory_space<vmem_shared>> -> memref<128x64xf32, #tpu.memory_space<vmem_shared>>
      tpu.wait_dma2 semaphore(%run_scoped3A_80 : memref<!tpu.dma_semaphore, #tpu.memory_space<semaphore_mem>>) src(%arg9 : memref<128x64xf32, #tpu.memory_space<vmem>>) dst(%dma_wait3A_88 : memref<128x64xf32, #tpu.memory_space<vmem_shared>>)
      tpu.yield
    }) : () -> ()
    %mul3A_12 = arith.constant 640 : i32
    %mul3A_13 = arith.muli %arg1, %mul3A_12 : i32
    %add3A_14 = arith.constant 256 : i32
    %add3A_15 = arith.addi %mul3A_13, %add3A_14 : i32
    "tpu.region"() ({
      %run_scoped3A_80 = tpu.sem_alloc : memref<!tpu.dma_semaphore, #tpu.memory_space<semaphore_mem>>
      %dma_start3A_81 = arith.constant 0 : i32
      %dma_start3A_82 = tpu.memref_slice %arg10[%add3A_15, %dma_start3A_81] : memref<10240x64xf32, #tpu.memory_space<vmem_shared>> -> memref<128x64xf32, #tpu.memory_space<vmem_shared>>
      %dma_start3A_83 = arith.constant 0 : i32
      %dma_start3A_84 = tpu.memref_slice %arg10[%add3A_15, %dma_start3A_83] : memref<10240x64xf32, #tpu.memory_space<vmem_shared>> -> memref<128x64xf32, #tpu.memory_space<vmem_shared>>
      tpu.enqueue_dma source(%arg9 : memref<128x64xf32, #tpu.memory_space<vmem>>) target(%dma_start3A_84 : memref<128x64xf32, #tpu.memory_space<vmem_shared>>) target_semaphore(%run_scoped3A_80 : memref<!tpu.dma_semaphore, #tpu.memory_space<semaphore_mem>>)
      %dma_wait3A_85 = arith.constant 0 : i32
      %dma_wait3A_86 = tpu.memref_slice %arg10[%add3A_15, %dma_wait3A_85] : memref<10240x64xf32, #tpu.memory_space<vmem_shared>> -> memref<128x64xf32, #tpu.memory_space<vmem_shared>>
      %dma_wait3A_87 = arith.constant 0 : i32
      %dma_wait3A_88 = tpu.memref_slice %arg10[%add3A_15, %dma_wait3A_87] : memref<10240x64xf32, #tpu.memory_space<vmem_shared>> -> memref<128x64xf32, #tpu.memory_space<vmem_shared>>
      tpu.wait_dma2 semaphore(%run_scoped3A_80 : memref<!tpu.dma_semaphore, #tpu.memory_space<semaphore_mem>>) src(%arg9 : memref<128x64xf32, #tpu.memory_space<vmem>>) dst(%dma_wait3A_88 : memref<128x64xf32, #tpu.memory_space<vmem_shared>>)
      tpu.yield
    }) : () -> ()
    %mul3A_16 = arith.constant 640 : i32
    %mul3A_17 = arith.muli %arg1, %mul3A_16 : i32
    %add3A_18 = arith.constant 384 : i32
    %add3A_19 = arith.addi %mul3A_17, %add3A_18 : i32
    "tpu.region"() ({
      %run_scoped3A_80 = tpu.sem_alloc : memref<!tpu.dma_semaphore, #tpu.memory_space<semaphore_mem>>
      %dma_start3A_81 = arith.constant 0 : i32
      %dma_start3A_82 = tpu.memref_slice %arg10[%add3A_19, %dma_start3A_81] : memref<10240x64xf32, #tpu.memory_space<vmem_shared>> -> memref<128x64xf32, #tpu.memory_space<vmem_shared>>
      %dma_start3A_83 = arith.constant 0 : i32
      %dma_start3A_84 = tpu.memref_slice %arg10[%add3A_19, %dma_start3A_83] : memref<10240x64xf32, #tpu.memory_space<vmem_shared>> -> memref<128x64xf32, #tpu.memory_space<vmem_shared>>
      tpu.enqueue_dma source(%arg9 : memref<128x64xf32, #tpu.memory_space<vmem>>) target(%dma_start3A_84 : memref<128x64xf32, #tpu.memory_space<vmem_shared>>) target_semaphore(%run_scoped3A_80 : memref<!tpu.dma_semaphore, #tpu.memory_space<semaphore_mem>>)
      %dma_wait3A_85 = arith.constant 0 : i32
      %dma_wait3A_86 = tpu.memref_slice %arg10[%add3A_19, %dma_wait3A_85] : memref<10240x64xf32, #tpu.memory_space<vmem_shared>> -> memref<128x64xf32, #tpu.memory_space<vmem_shared>>
      %dma_wait3A_87 = arith.constant 0 : i32
      %dma_wait3A_88 = tpu.memref_slice %arg10[%add3A_19, %dma_wait3A_87] : memref<10240x64xf32, #tpu.memory_space<vmem_shared>> -> memref<128x64xf32, #tpu.memory_space<vmem_shared>>
      tpu.wait_dma2 semaphore(%run_scoped3A_80 : memref<!tpu.dma_semaphore, #tpu.memory_space<semaphore_mem>>) src(%arg9 : memref<128x64xf32, #tpu.memory_space<vmem>>) dst(%dma_wait3A_88 : memref<128x64xf32, #tpu.memory_space<vmem_shared>>)
      tpu.yield
    }) : () -> ()
    %mul3A_20 = arith.constant 640 : i32
    %mul3A_21 = arith.muli %arg1, %mul3A_20 : i32
    %add3A_22 = arith.constant 512 : i32
    %add3A_23 = arith.addi %mul3A_21, %add3A_22 : i32
    "tpu.region"() ({
      %run_scoped3A_80 = tpu.sem_alloc : memref<!tpu.dma_semaphore, #tpu.memory_space<semaphore_mem>>
      %dma_start3A_81 = arith.constant 0 : i32
      %dma_start3A_82 = tpu.memref_slice %arg10[%add3A_23, %dma_start3A_81] : memref<10240x64xf32, #tpu.memory_space<vmem_shared>> -> memref<128x64xf32, #tpu.memory_space<vmem_shared>>
      %dma_start3A_83 = arith.constant 0 : i32
      %dma_start3A_84 = tpu.memref_slice %arg10[%add3A_23, %dma_start3A_83] : memref<10240x64xf32, #tpu.memory_space<vmem_shared>> -> memref<128x64xf32, #tpu.memory_space<vmem_shared>>
      tpu.enqueue_dma source(%arg9 : memref<128x64xf32, #tpu.memory_space<vmem>>) target(%dma_start3A_84 : memref<128x64xf32, #tpu.memory_space<vmem_shared>>) target_semaphore(%run_scoped3A_80 : memref<!tpu.dma_semaphore, #tpu.memory_space<semaphore_mem>>)
      %dma_wait3A_85 = arith.constant 0 : i32
      %dma_wait3A_86 = tpu.memref_slice %arg10[%add3A_23, %dma_wait3A_85] : memref<10240x64xf32, #tpu.memory_space<vmem_shared>> -> memref<128x64xf32, #tpu.memory_space<vmem_shared>>
      %dma_wait3A_87 = arith.constant 0 : i32
      %dma_wait3A_88 = tpu.memref_slice %arg10[%add3A_23, %dma_wait3A_87] : memref<10240x64xf32, #tpu.memory_space<vmem_shared>> -> memref<128x64xf32, #tpu.memory_space<vmem_shared>>
      tpu.wait_dma2 semaphore(%run_scoped3A_80 : memref<!tpu.dma_semaphore, #tpu.memory_space<semaphore_mem>>) src(%arg9 : memref<128x64xf32, #tpu.memory_space<vmem>>) dst(%dma_wait3A_88 : memref<128x64xf32, #tpu.memory_space<vmem_shared>>)
      tpu.yield
    }) : () -> ()
    %barrier3A = arith.constant 0 : index
    tpu.barrier barrier_id(%barrier3A)
    "tpu.region"() ({
      %run_scoped3A_80 = tpu.sem_alloc : memref<!tpu.dma_semaphore, #tpu.memory_space<semaphore_mem>>
      %dma_start3A_81 = arith.constant 0 : i32
      %dma_start3A_82 = arith.constant 0 : i32
      %dma_start3A_83 = tpu.memref_slice %arg3[%arg0, %arg1, %dma_start3A_81, %dma_start3A_82] : memref<2x16x79x256xi32, #tpu.memory_space<hbm>> -> memref<1x1x79x256xi32, #tpu.memory_space<hbm>>
      %dma_start3A_84 = tpu.memref_squeeze %dma_start3A_83 : memref<1x1x79x256xi32, #tpu.memory_space<hbm>> -> memref<79x256xi32, #tpu.memory_space<hbm>>
      %dma_start3A_85 = arith.constant 0 : i32
      %dma_start3A_86 = arith.constant 0 : i32
      %dma_start3A_87 = tpu.memref_slice %arg3[%arg0, %arg1, %dma_start3A_85, %dma_start3A_86] : memref<2x16x79x256xi32, #tpu.memory_space<hbm>> -> memref<1x1x79x256xi32, #tpu.memory_space<hbm>>
      %dma_start3A_88 = tpu.memref_squeeze %dma_start3A_87 : memref<1x1x79x256xi32, #tpu.memory_space<hbm>> -> memref<79x256xi32, #tpu.memory_space<hbm>>
      tpu.enqueue_dma source(%dma_start3A_88 : memref<79x256xi32, #tpu.memory_space<hbm>>) target(%arg6 : memref<79x256xi32, #tpu.memory_space<vmem>>) target_semaphore(%run_scoped3A_80 : memref<!tpu.dma_semaphore, #tpu.memory_space<semaphore_mem>>)
      %dma_wait3A_89 = arith.constant 0 : i32
      %dma_wait3A_90 = arith.constant 0 : i32
      %dma_wait3A_91 = tpu.memref_slice %arg3[%arg0, %arg1, %dma_wait3A_89, %dma_wait3A_90] : memref<2x16x79x256xi32, #tpu.memory_space<hbm>> -> memref<1x1x79x256xi32, #tpu.memory_space<hbm>>
      %dma_wait3A_92 = tpu.memref_squeeze %dma_wait3A_91 : memref<1x1x79x256xi32, #tpu.memory_space<hbm>> -> memref<79x256xi32, #tpu.memory_space<hbm>>
      %dma_wait3A_93 = arith.constant 0 : i32
      %dma_wait3A_94 = arith.constant 0 : i32
      %dma_wait3A_95 = tpu.memref_slice %arg3[%arg0, %arg1, %dma_wait3A_93, %dma_wait3A_94] : memref<2x16x79x256xi32, #tpu.memory_space<hbm>> -> memref<1x1x79x256xi32, #tpu.memory_space<hbm>>
      %dma_wait3A_96 = tpu.memref_squeeze %dma_wait3A_95 : memref<1x1x79x256xi32, #tpu.memory_space<hbm>> -> memref<79x256xi32, #tpu.memory_space<hbm>>
      tpu.wait_dma2 semaphore(%run_scoped3A_80 : memref<!tpu.dma_semaphore, #tpu.memory_space<semaphore_mem>>) src(%dma_wait3A_96 : memref<79x256xi32, #tpu.memory_space<hbm>>) dst(%arg6 : memref<79x256xi32, #tpu.memory_space<vmem>>)
      tpu.yield
    }) : () -> ()
    "tpu.region"() ({
      %run_scoped3A_80 = tpu.sem_alloc : memref<!tpu.dma_semaphore, #tpu.memory_space<semaphore_mem>>
      %dma_start3A_81 = arith.constant 0 : i32
      %dma_start3A_82 = arith.constant 0 : i32
      %dma_start3A_83 = tpu.memref_slice %arg4[%arg1, %dma_start3A_81, %dma_start3A_82] : memref<16x79x256xi32, #tpu.memory_space<hbm>> -> memref<1x79x256xi32, #tpu.memory_space<hbm>>
      %dma_start3A_84 = tpu.memref_squeeze %dma_start3A_83 : memref<1x79x256xi32, #tpu.memory_space<hbm>> -> memref<79x256xi32, #tpu.memory_space<hbm>>
      %dma_start3A_85 = arith.constant 0 : i32
      %dma_start3A_86 = arith.constant 0 : i32
      %dma_start3A_87 = tpu.memref_slice %arg4[%arg1, %dma_start3A_85, %dma_start3A_86] : memref<16x79x256xi32, #tpu.memory_space<hbm>> -> memref<1x79x256xi32, #tpu.memory_space<hbm>>
      %dma_start3A_88 = tpu.memref_squeeze %dma_start3A_87 : memref<1x79x256xi32, #tpu.memory_space<hbm>> -> memref<79x256xi32, #tpu.memory_space<hbm>>
      tpu.enqueue_dma source(%dma_start3A_88 : memref<79x256xi32, #tpu.memory_space<hbm>>) target(%arg7 : memref<79x256xi32, #tpu.memory_space<vmem>>) target_semaphore(%run_scoped3A_80 : memref<!tpu.dma_semaphore, #tpu.memory_space<semaphore_mem>>)
      %dma_wait3A_89 = arith.constant 0 : i32
      %dma_wait3A_90 = arith.constant 0 : i32
      %dma_wait3A_91 = tpu.memref_slice %arg4[%arg1, %dma_wait3A_89, %dma_wait3A_90] : memref<16x79x256xi32, #tpu.memory_space<hbm>> -> memref<1x79x256xi32, #tpu.memory_space<hbm>>
      %dma_wait3A_92 = tpu.memref_squeeze %dma_wait3A_91 : memref<1x79x256xi32, #tpu.memory_space<hbm>> -> memref<79x256xi32, #tpu.memory_space<hbm>>
      %dma_wait3A_93 = arith.constant 0 : i32
      %dma_wait3A_94 = arith.constant 0 : i32
      %dma_wait3A_95 = tpu.memref_slice %arg4[%arg1, %dma_wait3A_93, %dma_wait3A_94] : memref<16x79x256xi32, #tpu.memory_space<hbm>> -> memref<1x79x256xi32, #tpu.memory_space<hbm>>
      %dma_wait3A_96 = tpu.memref_squeeze %dma_wait3A_95 : memref<1x79x256xi32, #tpu.memory_space<hbm>> -> memref<79x256xi32, #tpu.memory_space<hbm>>
      tpu.wait_dma2 semaphore(%run_scoped3A_80 : memref<!tpu.dma_semaphore, #tpu.memory_space<semaphore_mem>>) src(%dma_wait3A_96 : memref<79x256xi32, #tpu.memory_space<hbm>>) dst(%arg7 : memref<79x256xi32, #tpu.memory_space<vmem>>)
      tpu.yield
    }) : () -> ()
    %dma_start3A = arith.constant 0 : i32
    %dma_start3A_24 = arith.constant 0 : i32
    %dma_start3A_25 = arith.constant 0 : i32
    %dma_start3A_26 = arith.constant 0 : i32
    %dma_start3A_27 = arith.constant 0 : i32
    %dma_start3A_28 = tpu.memref_slice %arg8[%dma_start3A_24, %dma_start3A_26, %dma_start3A_27] : memref<2x256x64xf32, #tpu.memory_space<vmem>> -> memref<1x256x64xf32, #tpu.memory_space<vmem>>
    %dma_start3A_29 = tpu.memref_squeeze %dma_start3A_28 : memref<1x256x64xf32, #tpu.memory_space<vmem>> -> memref<256x64xf32, #tpu.memory_space<vmem>>
    %dma_start3A_30 = arith.constant 0 : i32
    %dma_start3A_31 = tpu.memref_slice %arg6[%dma_start3A, %dma_start3A_30] : memref<79x256xi32, #tpu.memory_space<vmem>> -> memref<1x256xi32, #tpu.memory_space<vmem>>
    %dma_start3A_32 = tpu.memref_squeeze %dma_start3A_31 : memref<1x256xi32, #tpu.memory_space<vmem>> -> memref<256xi32, #tpu.memory_space<vmem>>
    %dma_start3A_33 = arith.constant 0 : i32
    %dma_start3A_34 = arith.constant 0 : i32
    %dma_start3A_35 = tpu.memref_slice %arg2[%dma_start3A_33, %dma_start3A_34] : memref<20000x64xf32, #tpu.memory_space<hbm>> -> memref<20000x64xf32, #tpu.memory_space<hbm>>
    %dma_start3A_36 = tpu.memref_slice %arg11[%dma_start3A_25] : memref<2x!tpu.dma_semaphore, #tpu.memory_space<semaphore_mem>> -> memref<1x!tpu.dma_semaphore, #tpu.memory_space<semaphore_mem>>
    %dma_start3A_37 = tpu.memref_squeeze %dma_start3A_36 : memref<1x!tpu.dma_semaphore, #tpu.memory_space<semaphore_mem>> -> memref<!tpu.dma_semaphore, #tpu.memory_space<semaphore_mem>>
    tpu.enqueue_indirect_dma source(%dma_start3A_35 : memref<20000x64xf32, #tpu.memory_space<hbm>>) target(%dma_start3A_29 : memref<256x64xf32, #tpu.memory_space<vmem>>) offsets(%dma_start3A_32 : memref<256xi32, #tpu.memory_space<vmem>>) semaphore(%dma_start3A_37 : memref<!tpu.dma_semaphore, #tpu.memory_space<semaphore_mem>>)
    %dma_start3A_38 = arith.constant 1 : i32
    %dma_start3A_39 = arith.constant 1 : i32
    %dma_start3A_40 = arith.constant 1 : i32
    %dma_start3A_41 = arith.constant 0 : i32
    %dma_start3A_42 = arith.constant 0 : i32
    %dma_start3A_43 = tpu.memref_slice %arg8[%dma_start3A_39, %dma_start3A_41, %dma_start3A_42] : memref<2x256x64xf32, #tpu.memory_space<vmem>> -> memref<1x256x64xf32, #tpu.memory_space<vmem>>
    %dma_start3A_44 = tpu.memref_squeeze %dma_start3A_43 : memref<1x256x64xf32, #tpu.memory_space<vmem>> -> memref<256x64xf32, #tpu.memory_space<vmem>>
    %dma_start3A_45 = arith.constant 0 : i32
    %dma_start3A_46 = tpu.memref_slice %arg6[%dma_start3A_38, %dma_start3A_45] : memref<79x256xi32, #tpu.memory_space<vmem>> -> memref<1x256xi32, #tpu.memory_space<vmem>>
    %dma_start3A_47 = tpu.memref_squeeze %dma_start3A_46 : memref<1x256xi32, #tpu.memory_space<vmem>> -> memref<256xi32, #tpu.memory_space<vmem>>
    %dma_start3A_48 = arith.constant 0 : i32
    %dma_start3A_49 = arith.constant 0 : i32
    %dma_start3A_50 = tpu.memref_slice %arg2[%dma_start3A_48, %dma_start3A_49] : memref<20000x64xf32, #tpu.memory_space<hbm>> -> memref<20000x64xf32, #tpu.memory_space<hbm>>
    %dma_start3A_51 = tpu.memref_slice %arg11[%dma_start3A_40] : memref<2x!tpu.dma_semaphore, #tpu.memory_space<semaphore_mem>> -> memref<1x!tpu.dma_semaphore, #tpu.memory_space<semaphore_mem>>
    %dma_start3A_52 = tpu.memref_squeeze %dma_start3A_51 : memref<1x!tpu.dma_semaphore, #tpu.memory_space<semaphore_mem>> -> memref<!tpu.dma_semaphore, #tpu.memory_space<semaphore_mem>>
    tpu.enqueue_indirect_dma source(%dma_start3A_50 : memref<20000x64xf32, #tpu.memory_space<hbm>>) target(%dma_start3A_44 : memref<256x64xf32, #tpu.memory_space<vmem>>) offsets(%dma_start3A_47 : memref<256xi32, #tpu.memory_space<vmem>>) semaphore(%dma_start3A_52 : memref<!tpu.dma_semaphore, #tpu.memory_space<semaphore_mem>>)
    %scan3A_53 = arith.constant 0 : i32
    %scan3A_54 = arith.constant 0 : i32
    %scan3A_55 = arith.constant 39 : i32
    %scan3A_56 = arith.addi %scan3A_54, %scan3A_55 : i32
    %scan3A_57 = arith.constant 1 : i32
    %scan3A_58 = scf.for %scan3A_80 = %scan3A_54 to %scan3A_56 step %scan3A_57 iter_args(%scan3A_81 = %scan3A_53) -> (i32)  : i32 {
      %mul3A_82 = arith.constant 2 : i32
      %mul3A_83 = arith.muli %mul3A_82, %scan3A_80 : i32
      %add3A_84 = arith.constant 0 : i32
      %add3A_85 = arith.addi %mul3A_83, %add3A_84 : i32
      %dma_wait3A_86 = arith.constant 0 : i32
      %dma_wait3A_87 = arith.constant 0 : i32
      %dma_wait3A_88 = arith.constant 0 : i32
      %dma_wait3A_89 = arith.constant 0 : i32
      %dma_wait3A_90 = tpu.memref_slice %arg8[%dma_wait3A_86, %dma_wait3A_88, %dma_wait3A_89] : memref<2x256x64xf32, #tpu.memory_space<vmem>> -> memref<1x256x64xf32, #tpu.memory_space<vmem>>
      %dma_wait3A_91 = tpu.memref_squeeze %dma_wait3A_90 : memref<1x256x64xf32, #tpu.memory_space<vmem>> -> memref<256x64xf32, #tpu.memory_space<vmem>>
      %dma_wait3A_92 = arith.constant 0 : i32
      %dma_wait3A_93 = tpu.memref_slice %arg6[%add3A_85, %dma_wait3A_92] : memref<79x256xi32, #tpu.memory_space<vmem>> -> memref<1x256xi32, #tpu.memory_space<vmem>>
      %dma_wait3A_94 = tpu.memref_squeeze %dma_wait3A_93 : memref<1x256xi32, #tpu.memory_space<vmem>> -> memref<256xi32, #tpu.memory_space<vmem>>
      %dma_wait3A_95 = arith.constant 0 : i32
      %dma_wait3A_96 = arith.constant 0 : i32
      %dma_wait3A_97 = tpu.memref_slice %arg2[%dma_wait3A_95, %dma_wait3A_96] : memref<20000x64xf32, #tpu.memory_space<hbm>> -> memref<20000x64xf32, #tpu.memory_space<hbm>>
      %dma_wait3A_98 = tpu.memref_slice %arg11[%dma_wait3A_87] : memref<2x!tpu.dma_semaphore, #tpu.memory_space<semaphore_mem>> -> memref<1x!tpu.dma_semaphore, #tpu.memory_space<semaphore_mem>>
      %dma_wait3A_99 = tpu.memref_squeeze %dma_wait3A_98 : memref<1x!tpu.dma_semaphore, #tpu.memory_space<semaphore_mem>> -> memref<!tpu.dma_semaphore, #tpu.memory_space<semaphore_mem>>
      tpu.wait_indirect_dma semaphore(%dma_wait3A_99 : memref<!tpu.dma_semaphore, #tpu.memory_space<semaphore_mem>>) src(%dma_wait3A_97 : memref<20000x64xf32, #tpu.memory_space<hbm>>) dst(%dma_wait3A_91 : memref<256x64xf32, #tpu.memory_space<vmem>>)
      %run_scoped3A_100 = arith.constant 0 : i32
      "tpu.region"() ({
        %run_scoped3A_132 = tpu.sem_alloc : memref<!tpu.dma_semaphore, #tpu.memory_space<semaphore_mem>>
        %dma_start3A_133 = arith.constant 0 : i32
        %dma_start3A_134 = arith.constant 0 : i32
        %dma_start3A_135 = tpu.memref_slice %arg8[%run_scoped3A_100, %dma_start3A_133, %dma_start3A_134] : memref<2x256x64xf32, #tpu.memory_space<vmem>> -> memref<1x256x64xf32, #tpu.memory_space<vmem>>
        %dma_start3A_136 = tpu.memref_squeeze %dma_start3A_135 : memref<1x256x64xf32, #tpu.memory_space<vmem>> -> memref<256x64xf32, #tpu.memory_space<vmem>>
        %dma_start3A_137 = arith.constant 0 : i32
        %dma_start3A_138 = tpu.memref_slice %arg7[%add3A_85, %dma_start3A_137] : memref<79x256xi32, #tpu.memory_space<vmem>> -> memref<1x256xi32, #tpu.memory_space<vmem>>
        %dma_start3A_139 = tpu.memref_squeeze %dma_start3A_138 : memref<1x256xi32, #tpu.memory_space<vmem>> -> memref<256xi32, #tpu.memory_space<vmem>>
        %dma_start3A_140 = arith.constant 0 : i32
        %dma_start3A_141 = arith.constant 0 : i32
        %dma_start3A_142 = tpu.memref_slice %arg10[%dma_start3A_140, %dma_start3A_141] : memref<10240x64xf32, #tpu.memory_space<vmem_shared>> -> memref<10240x64xf32, #tpu.memory_space<vmem_shared>>
        tpu.enqueue_indirect_dma source(%dma_start3A_136 : memref<256x64xf32, #tpu.memory_space<vmem>>) target(%dma_start3A_142 : memref<10240x64xf32, #tpu.memory_space<vmem_shared>>) offsets(%dma_start3A_139 : memref<256xi32, #tpu.memory_space<vmem>>) semaphore(%run_scoped3A_132 : memref<!tpu.dma_semaphore, #tpu.memory_space<semaphore_mem>>) {add = true}
        %dma_wait3A_143 = arith.constant 0 : i32
        %dma_wait3A_144 = arith.constant 0 : i32
        %dma_wait3A_145 = tpu.memref_slice %arg8[%run_scoped3A_100, %dma_wait3A_143, %dma_wait3A_144] : memref<2x256x64xf32, #tpu.memory_space<vmem>> -> memref<1x256x64xf32, #tpu.memory_space<vmem>>
        %dma_wait3A_146 = tpu.memref_squeeze %dma_wait3A_145 : memref<1x256x64xf32, #tpu.memory_space<vmem>> -> memref<256x64xf32, #tpu.memory_space<vmem>>
        %dma_wait3A_147 = arith.constant 0 : i32
        %dma_wait3A_148 = tpu.memref_slice %arg7[%add3A_85, %dma_wait3A_147] : memref<79x256xi32, #tpu.memory_space<vmem>> -> memref<1x256xi32, #tpu.memory_space<vmem>>
        %dma_wait3A_149 = tpu.memref_squeeze %dma_wait3A_148 : memref<1x256xi32, #tpu.memory_space<vmem>> -> memref<256xi32, #tpu.memory_space<vmem>>
        %dma_wait3A_150 = arith.constant 0 : i32
        %dma_wait3A_151 = arith.constant 0 : i32
        %dma_wait3A_152 = tpu.memref_slice %arg10[%dma_wait3A_150, %dma_wait3A_151] : memref<10240x64xf32, #tpu.memory_space<vmem_shared>> -> memref<10240x64xf32, #tpu.memory_space<vmem_shared>>
        tpu.wait_indirect_dma semaphore(%run_scoped3A_132 : memref<!tpu.dma_semaphore, #tpu.memory_space<semaphore_mem>>) src(%dma_wait3A_146 : memref<256x64xf32, #tpu.memory_space<vmem>>) dst(%dma_wait3A_152 : memref<10240x64xf32, #tpu.memory_space<vmem_shared>>)
        tpu.yield
      }) : () -> ()
      %add3A_101 = arith.constant 2 : i32
      %add3A_102 = arith.addi %add3A_85, %add3A_101 : i32
      %lt3A = arith.constant 79 : i32
      %lt3A_103 = arith.cmpi slt, %add3A_102, %lt3A : i32
      %convert_element_type3A = arith.extui %lt3A_103 : i1 to i32
      %cond3A = arith.constant 0 : i32
      %cond3A_104 = arith.cmpi ne, %convert_element_type3A, %cond3A : i32
      scf.if %cond3A_104 {
        %add3A_132 = arith.constant 2 : i32
        %add3A_133 = arith.addi %add3A_85, %add3A_132 : i32
        %dma_start3A_134 = arith.constant 0 : i32
        %dma_start3A_135 = arith.constant 0 : i32
        %dma_start3A_136 = arith.constant 0 : i32
        %dma_start3A_137 = arith.constant 0 : i32
        %dma_start3A_138 = tpu.memref_slice %arg8[%dma_start3A_134, %dma_start3A_136, %dma_start3A_137] : memref<2x256x64xf32, #tpu.memory_space<vmem>> -> memref<1x256x64xf32, #tpu.memory_space<vmem>>
        %dma_start3A_139 = tpu.memref_squeeze %dma_start3A_138 : memref<1x256x64xf32, #tpu.memory_space<vmem>> -> memref<256x64xf32, #tpu.memory_space<vmem>>
        %dma_start3A_140 = arith.constant 0 : i32
        %dma_start3A_141 = tpu.memref_slice %arg6[%add3A_133, %dma_start3A_140] : memref<79x256xi32, #tpu.memory_space<vmem>> -> memref<1x256xi32, #tpu.memory_space<vmem>>
        %dma_start3A_142 = tpu.memref_squeeze %dma_start3A_141 : memref<1x256xi32, #tpu.memory_space<vmem>> -> memref<256xi32, #tpu.memory_space<vmem>>
        %dma_start3A_143 = arith.constant 0 : i32
        %dma_start3A_144 = arith.constant 0 : i32
        %dma_start3A_145 = tpu.memref_slice %arg2[%dma_start3A_143, %dma_start3A_144] : memref<20000x64xf32, #tpu.memory_space<hbm>> -> memref<20000x64xf32, #tpu.memory_space<hbm>>
        %dma_start3A_146 = tpu.memref_slice %arg11[%dma_start3A_135] : memref<2x!tpu.dma_semaphore, #tpu.memory_space<semaphore_mem>> -> memref<1x!tpu.dma_semaphore, #tpu.memory_space<semaphore_mem>>
        %dma_start3A_147 = tpu.memref_squeeze %dma_start3A_146 : memref<1x!tpu.dma_semaphore, #tpu.memory_space<semaphore_mem>> -> memref<!tpu.dma_semaphore, #tpu.memory_space<semaphore_mem>>
        tpu.enqueue_indirect_dma source(%dma_start3A_145 : memref<20000x64xf32, #tpu.memory_space<hbm>>) target(%dma_start3A_139 : memref<256x64xf32, #tpu.memory_space<vmem>>) offsets(%dma_start3A_142 : memref<256xi32, #tpu.memory_space<vmem>>) semaphore(%dma_start3A_147 : memref<!tpu.dma_semaphore, #tpu.memory_space<semaphore_mem>>)
      } else {
      }
      %mul3A_105 = arith.constant 2 : i32
      %mul3A_106 = arith.muli %mul3A_105, %scan3A_80 : i32
      %add3A_107 = arith.constant 1 : i32
      %add3A_108 = arith.addi %mul3A_106, %add3A_107 : i32
      %dma_wait3A_109 = arith.constant 1 : i32
      %dma_wait3A_110 = arith.constant 1 : i32
      %dma_wait3A_111 = arith.constant 0 : i32
      %dma_wait3A_112 = arith.constant 0 : i32
      %dma_wait3A_113 = tpu.memref_slice %arg8[%dma_wait3A_109, %dma_wait3A_111, %dma_wait3A_112] : memref<2x256x64xf32, #tpu.memory_space<vmem>> -> memref<1x256x64xf32, #tpu.memory_space<vmem>>
      %dma_wait3A_114 = tpu.memref_squeeze %dma_wait3A_113 : memref<1x256x64xf32, #tpu.memory_space<vmem>> -> memref<256x64xf32, #tpu.memory_space<vmem>>
      %dma_wait3A_115 = arith.constant 0 : i32
      %dma_wait3A_116 = tpu.memref_slice %arg6[%add3A_108, %dma_wait3A_115] : memref<79x256xi32, #tpu.memory_space<vmem>> -> memref<1x256xi32, #tpu.memory_space<vmem>>
      %dma_wait3A_117 = tpu.memref_squeeze %dma_wait3A_116 : memref<1x256xi32, #tpu.memory_space<vmem>> -> memref<256xi32, #tpu.memory_space<vmem>>
      %dma_wait3A_118 = arith.constant 0 : i32
      %dma_wait3A_119 = arith.constant 0 : i32
      %dma_wait3A_120 = tpu.memref_slice %arg2[%dma_wait3A_118, %dma_wait3A_119] : memref<20000x64xf32, #tpu.memory_space<hbm>> -> memref<20000x64xf32, #tpu.memory_space<hbm>>
      %dma_wait3A_121 = tpu.memref_slice %arg11[%dma_wait3A_110] : memref<2x!tpu.dma_semaphore, #tpu.memory_space<semaphore_mem>> -> memref<1x!tpu.dma_semaphore, #tpu.memory_space<semaphore_mem>>
      %dma_wait3A_122 = tpu.memref_squeeze %dma_wait3A_121 : memref<1x!tpu.dma_semaphore, #tpu.memory_space<semaphore_mem>> -> memref<!tpu.dma_semaphore, #tpu.memory_space<semaphore_mem>>
      tpu.wait_indirect_dma semaphore(%dma_wait3A_122 : memref<!tpu.dma_semaphore, #tpu.memory_space<semaphore_mem>>) src(%dma_wait3A_120 : memref<20000x64xf32, #tpu.memory_space<hbm>>) dst(%dma_wait3A_114 : memref<256x64xf32, #tpu.memory_space<vmem>>)
      %run_scoped3A_123 = arith.constant 1 : i32
      "tpu.region"() ({
        %run_scoped3A_132 = tpu.sem_alloc : memref<!tpu.dma_semaphore, #tpu.memory_space<semaphore_mem>>
        %dma_start3A_133 = arith.constant 0 : i32
        %dma_start3A_134 = arith.constant 0 : i32
        %dma_start3A_135 = tpu.memref_slice %arg8[%run_scoped3A_123, %dma_start3A_133, %dma_start3A_134] : memref<2x256x64xf32, #tpu.memory_space<vmem>> -> memref<1x256x64xf32, #tpu.memory_space<vmem>>
        %dma_start3A_136 = tpu.memref_squeeze %dma_start3A_135 : memref<1x256x64xf32, #tpu.memory_space<vmem>> -> memref<256x64xf32, #tpu.memory_space<vmem>>
        %dma_start3A_137 = arith.constant 0 : i32
        %dma_start3A_138 = tpu.memref_slice %arg7[%add3A_108, %dma_start3A_137] : memref<79x256xi32, #tpu.memory_space<vmem>> -> memref<1x256xi32, #tpu.memory_space<vmem>>
        %dma_start3A_139 = tpu.memref_squeeze %dma_start3A_138 : memref<1x256xi32, #tpu.memory_space<vmem>> -> memref<256xi32, #tpu.memory_space<vmem>>
        %dma_start3A_140 = arith.constant 0 : i32
        %dma_start3A_141 = arith.constant 0 : i32
        %dma_start3A_142 = tpu.memref_slice %arg10[%dma_start3A_140, %dma_start3A_141] : memref<10240x64xf32, #tpu.memory_space<vmem_shared>> -> memref<10240x64xf32, #tpu.memory_space<vmem_shared>>
        tpu.enqueue_indirect_dma source(%dma_start3A_136 : memref<256x64xf32, #tpu.memory_space<vmem>>) target(%dma_start3A_142 : memref<10240x64xf32, #tpu.memory_space<vmem_shared>>) offsets(%dma_start3A_139 : memref<256xi32, #tpu.memory_space<vmem>>) semaphore(%run_scoped3A_132 : memref<!tpu.dma_semaphore, #tpu.memory_space<semaphore_mem>>) {add = true}
        %dma_wait3A_143 = arith.constant 0 : i32
        %dma_wait3A_144 = arith.constant 0 : i32
        %dma_wait3A_145 = tpu.memref_slice %arg8[%run_scoped3A_123, %dma_wait3A_143, %dma_wait3A_144] : memref<2x256x64xf32, #tpu.memory_space<vmem>> -> memref<1x256x64xf32, #tpu.memory_space<vmem>>
        %dma_wait3A_146 = tpu.memref_squeeze %dma_wait3A_145 : memref<1x256x64xf32, #tpu.memory_space<vmem>> -> memref<256x64xf32, #tpu.memory_space<vmem>>
        %dma_wait3A_147 = arith.constant 0 : i32
        %dma_wait3A_148 = tpu.memref_slice %arg7[%add3A_108, %dma_wait3A_147] : memref<79x256xi32, #tpu.memory_space<vmem>> -> memref<1x256xi32, #tpu.memory_space<vmem>>
        %dma_wait3A_149 = tpu.memref_squeeze %dma_wait3A_148 : memref<1x256xi32, #tpu.memory_space<vmem>> -> memref<256xi32, #tpu.memory_space<vmem>>
        %dma_wait3A_150 = arith.constant 0 : i32
        %dma_wait3A_151 = arith.constant 0 : i32
        %dma_wait3A_152 = tpu.memref_slice %arg10[%dma_wait3A_150, %dma_wait3A_151] : memref<10240x64xf32, #tpu.memory_space<vmem_shared>> -> memref<10240x64xf32, #tpu.memory_space<vmem_shared>>
        tpu.wait_indirect_dma semaphore(%run_scoped3A_132 : memref<!tpu.dma_semaphore, #tpu.memory_space<semaphore_mem>>) src(%dma_wait3A_146 : memref<256x64xf32, #tpu.memory_space<vmem>>) dst(%dma_wait3A_152 : memref<10240x64xf32, #tpu.memory_space<vmem_shared>>)
        tpu.yield
      }) : () -> ()
      %add3A_124 = arith.constant 2 : i32
      %add3A_125 = arith.addi %add3A_108, %add3A_124 : i32
      %lt3A_126 = arith.constant 79 : i32
      %lt3A_127 = arith.cmpi slt, %add3A_125, %lt3A_126 : i32
      %convert_element_type3A_128 = arith.extui %lt3A_127 : i1 to i32
      %cond3A_129 = arith.constant 0 : i32
      %cond3A_130 = arith.cmpi ne, %convert_element_type3A_128, %cond3A_129 : i32
      scf.if %cond3A_130 {
        %add3A_132 = arith.constant 2 : i32
        %add3A_133 = arith.addi %add3A_108, %add3A_132 : i32
        %dma_start3A_134 = arith.constant 1 : i32
        %dma_start3A_135 = arith.constant 1 : i32
        %dma_start3A_136 = arith.constant 0 : i32
        %dma_start3A_137 = arith.constant 0 : i32
        %dma_start3A_138 = tpu.memref_slice %arg8[%dma_start3A_134, %dma_start3A_136, %dma_start3A_137] : memref<2x256x64xf32, #tpu.memory_space<vmem>> -> memref<1x256x64xf32, #tpu.memory_space<vmem>>
        %dma_start3A_139 = tpu.memref_squeeze %dma_start3A_138 : memref<1x256x64xf32, #tpu.memory_space<vmem>> -> memref<256x64xf32, #tpu.memory_space<vmem>>
        %dma_start3A_140 = arith.constant 0 : i32
        %dma_start3A_141 = tpu.memref_slice %arg6[%add3A_133, %dma_start3A_140] : memref<79x256xi32, #tpu.memory_space<vmem>> -> memref<1x256xi32, #tpu.memory_space<vmem>>
        %dma_start3A_142 = tpu.memref_squeeze %dma_start3A_141 : memref<1x256xi32, #tpu.memory_space<vmem>> -> memref<256xi32, #tpu.memory_space<vmem>>
        %dma_start3A_143 = arith.constant 0 : i32
        %dma_start3A_144 = arith.constant 0 : i32
        %dma_start3A_145 = tpu.memref_slice %arg2[%dma_start3A_143, %dma_start3A_144] : memref<20000x64xf32, #tpu.memory_space<hbm>> -> memref<20000x64xf32, #tpu.memory_space<hbm>>
        %dma_start3A_146 = tpu.memref_slice %arg11[%dma_start3A_135] : memref<2x!tpu.dma_semaphore, #tpu.memory_space<semaphore_mem>> -> memref<1x!tpu.dma_semaphore, #tpu.memory_space<semaphore_mem>>
        %dma_start3A_147 = tpu.memref_squeeze %dma_start3A_146 : memref<1x!tpu.dma_semaphore, #tpu.memory_space<semaphore_mem>> -> memref<!tpu.dma_semaphore, #tpu.memory_space<semaphore_mem>>
        tpu.enqueue_indirect_dma source(%dma_start3A_145 : memref<20000x64xf32, #tpu.memory_space<hbm>>) target(%dma_start3A_139 : memref<256x64xf32, #tpu.memory_space<vmem>>) offsets(%dma_start3A_142 : memref<256xi32, #tpu.memory_space<vmem>>) semaphore(%dma_start3A_147 : memref<!tpu.dma_semaphore, #tpu.memory_space<semaphore_mem>>)
      } else {
      }
      %scan3A_131 = arith.constant 0 : i32
      scf.yield %scan3A_131 : i32
    }
    %scan3A_59 = arith.constant 39 : i32
    %dma_wait3A = arith.constant 78 : i32
    %dma_wait3A_60 = arith.constant 0 : i32
    %dma_wait3A_61 = arith.constant 0 : i32
    %dma_wait3A_62 = arith.constant 0 : i32
    %dma_wait3A_63 = arith.constant 0 : i32
    %dma_wait3A_64 = tpu.memref_slice %arg8[%dma_wait3A_60, %dma_wait3A_62, %dma_wait3A_63] : memref<2x256x64xf32, #tpu.memory_space<vmem>> -> memref<1x256x64xf32, #tpu.memory_space<vmem>>
    %dma_wait3A_65 = tpu.memref_squeeze %dma_wait3A_64 : memref<1x256x64xf32, #tpu.memory_space<vmem>> -> memref<256x64xf32, #tpu.memory_space<vmem>>
    %dma_wait3A_66 = arith.constant 0 : i32
    %dma_wait3A_67 = tpu.memref_slice %arg6[%dma_wait3A, %dma_wait3A_66] : memref<79x256xi32, #tpu.memory_space<vmem>> -> memref<1x256xi32, #tpu.memory_space<vmem>>
    %dma_wait3A_68 = tpu.memref_squeeze %dma_wait3A_67 : memref<1x256xi32, #tpu.memory_space<vmem>> -> memref<256xi32, #tpu.memory_space<vmem>>
    %dma_wait3A_69 = arith.constant 0 : i32
    %dma_wait3A_70 = arith.constant 0 : i32
    %dma_wait3A_71 = tpu.memref_slice %arg2[%dma_wait3A_69, %dma_wait3A_70] : memref<20000x64xf32, #tpu.memory_space<hbm>> -> memref<20000x64xf32, #tpu.memory_space<hbm>>
    %dma_wait3A_72 = tpu.memref_slice %arg11[%dma_wait3A_61] : memref<2x!tpu.dma_semaphore, #tpu.memory_space<semaphore_mem>> -> memref<1x!tpu.dma_semaphore, #tpu.memory_space<semaphore_mem>>
    %dma_wait3A_73 = tpu.memref_squeeze %dma_wait3A_72 : memref<1x!tpu.dma_semaphore, #tpu.memory_space<semaphore_mem>> -> memref<!tpu.dma_semaphore, #tpu.memory_space<semaphore_mem>>
    tpu.wait_indirect_dma semaphore(%dma_wait3A_73 : memref<!tpu.dma_semaphore, #tpu.memory_space<semaphore_mem>>) src(%dma_wait3A_71 : memref<20000x64xf32, #tpu.memory_space<hbm>>) dst(%dma_wait3A_65 : memref<256x64xf32, #tpu.memory_space<vmem>>)
    %run_scoped3A = arith.constant 0 : i32
    %run_scoped3A_74 = arith.constant 78 : i32
    "tpu.region"() ({
      %run_scoped3A_80 = tpu.sem_alloc : memref<!tpu.dma_semaphore, #tpu.memory_space<semaphore_mem>>
      %dma_start3A_81 = arith.constant 0 : i32
      %dma_start3A_82 = arith.constant 0 : i32
      %dma_start3A_83 = tpu.memref_slice %arg8[%run_scoped3A, %dma_start3A_81, %dma_start3A_82] : memref<2x256x64xf32, #tpu.memory_space<vmem>> -> memref<1x256x64xf32, #tpu.memory_space<vmem>>
      %dma_start3A_84 = tpu.memref_squeeze %dma_start3A_83 : memref<1x256x64xf32, #tpu.memory_space<vmem>> -> memref<256x64xf32, #tpu.memory_space<vmem>>
      %dma_start3A_85 = arith.constant 0 : i32
      %dma_start3A_86 = tpu.memref_slice %arg7[%run_scoped3A_74, %dma_start3A_85] : memref<79x256xi32, #tpu.memory_space<vmem>> -> memref<1x256xi32, #tpu.memory_space<vmem>>
      %dma_start3A_87 = tpu.memref_squeeze %dma_start3A_86 : memref<1x256xi32, #tpu.memory_space<vmem>> -> memref<256xi32, #tpu.memory_space<vmem>>
      %dma_start3A_88 = arith.constant 0 : i32
      %dma_start3A_89 = arith.constant 0 : i32
      %dma_start3A_90 = tpu.memref_slice %arg10[%dma_start3A_88, %dma_start3A_89] : memref<10240x64xf32, #tpu.memory_space<vmem_shared>> -> memref<10240x64xf32, #tpu.memory_space<vmem_shared>>
      tpu.enqueue_indirect_dma source(%dma_start3A_84 : memref<256x64xf32, #tpu.memory_space<vmem>>) target(%dma_start3A_90 : memref<10240x64xf32, #tpu.memory_space<vmem_shared>>) offsets(%dma_start3A_87 : memref<256xi32, #tpu.memory_space<vmem>>) semaphore(%run_scoped3A_80 : memref<!tpu.dma_semaphore, #tpu.memory_space<semaphore_mem>>) {add = true}
      %dma_wait3A_91 = arith.constant 0 : i32
      %dma_wait3A_92 = arith.constant 0 : i32
      %dma_wait3A_93 = tpu.memref_slice %arg8[%run_scoped3A, %dma_wait3A_91, %dma_wait3A_92] : memref<2x256x64xf32, #tpu.memory_space<vmem>> -> memref<1x256x64xf32, #tpu.memory_space<vmem>>
      %dma_wait3A_94 = tpu.memref_squeeze %dma_wait3A_93 : memref<1x256x64xf32, #tpu.memory_space<vmem>> -> memref<256x64xf32, #tpu.memory_space<vmem>>
      %dma_wait3A_95 = arith.constant 0 : i32
      %dma_wait3A_96 = tpu.memref_slice %arg7[%run_scoped3A_74, %dma_wait3A_95] : memref<79x256xi32, #tpu.memory_space<vmem>> -> memref<1x256xi32, #tpu.memory_space<vmem>>
      %dma_wait3A_97 = tpu.memref_squeeze %dma_wait3A_96 : memref<1x256xi32, #tpu.memory_space<vmem>> -> memref<256xi32, #tpu.memory_space<vmem>>
      %dma_wait3A_98 = arith.constant 0 : i32
      %dma_wait3A_99 = arith.constant 0 : i32
      %dma_wait3A_100 = tpu.memref_slice %arg10[%dma_wait3A_98, %dma_wait3A_99] : memref<10240x64xf32, #tpu.memory_space<vmem_shared>> -> memref<10240x64xf32, #tpu.memory_space<vmem_shared>>
      tpu.wait_indirect_dma semaphore(%run_scoped3A_80 : memref<!tpu.dma_semaphore, #tpu.memory_space<semaphore_mem>>) src(%dma_wait3A_94 : memref<256x64xf32, #tpu.memory_space<vmem>>) dst(%dma_wait3A_100 : memref<10240x64xf32, #tpu.memory_space<vmem_shared>>)
      tpu.yield
    }) : () -> ()
    %barrier3A_75 = arith.constant 0 : index
    tpu.barrier barrier_id(%barrier3A_75)
    %mul3A_76 = arith.constant 640 : i32
    %mul3A_77 = arith.muli %arg1, %mul3A_76 : i32
    %mul3A_78 = arith.constant 640 : i32
    %mul3A_79 = arith.muli %arg1, %mul3A_78 : i32
    "tpu.region"() ({
      %run_scoped3A_80 = tpu.sem_alloc : memref<!tpu.dma_semaphore, #tpu.memory_space<semaphore_mem>>
      %dma_start3A_81 = arith.constant 0 : i32
      %dma_start3A_82 = tpu.memref_slice %arg5[%arg0, %mul3A_79, %dma_start3A_81] : memref<2x10240x64xf32, #tpu.memory_space<hbm>> -> memref<1x640x64xf32, #tpu.memory_space<hbm>>
      %dma_start3A_83 = tpu.memref_squeeze %dma_start3A_82 : memref<1x640x64xf32, #tpu.memory_space<hbm>> -> memref<640x64xf32, #tpu.memory_space<hbm>>
      %dma_start3A_84 = arith.constant 0 : i32
      %dma_start3A_85 = tpu.memref_slice %arg10[%mul3A_77, %dma_start3A_84] : memref<10240x64xf32, #tpu.memory_space<vmem_shared>> -> memref<640x64xf32, #tpu.memory_space<vmem_shared>>
      tpu.enqueue_dma source(%dma_start3A_85 : memref<640x64xf32, #tpu.memory_space<vmem_shared>>) target(%dma_start3A_83 : memref<640x64xf32, #tpu.memory_space<hbm>>) target_semaphore(%run_scoped3A_80 : memref<!tpu.dma_semaphore, #tpu.memory_space<semaphore_mem>>)
      %dma_wait3A_86 = arith.constant 0 : i32
      %dma_wait3A_87 = tpu.memref_slice %arg5[%arg0, %mul3A_79, %dma_wait3A_86] : memref<2x10240x64xf32, #tpu.memory_space<hbm>> -> memref<1x640x64xf32, #tpu.memory_space<hbm>>
      %dma_wait3A_88 = tpu.memref_squeeze %dma_wait3A_87 : memref<1x640x64xf32, #tpu.memory_space<hbm>> -> memref<640x64xf32, #tpu.memory_space<hbm>>
      %dma_wait3A_89 = arith.constant 0 : i32
      %dma_wait3A_90 = tpu.memref_slice %arg10[%mul3A_77, %dma_wait3A_89] : memref<10240x64xf32, #tpu.memory_space<vmem_shared>> -> memref<640x64xf32, #tpu.memory_space<vmem_shared>>
      tpu.wait_dma2 semaphore(%run_scoped3A_80 : memref<!tpu.dma_semaphore, #tpu.memory_space<semaphore_mem>>) src(%dma_wait3A_90 : memref<640x64xf32, #tpu.memory_space<vmem_shared>>) dst(%dma_wait3A_88 : memref<640x64xf32, #tpu.memory_space<hbm>>)
      tpu.yield
    }) : () -> ()
    return
  }
}

#map = affine_map<(d0, d1) -> (0, 0, 0)>
module attributes {stable_mosaic.version = 14 : i64} {
  func.func @_deg_kernel(%arg0: i32, %arg1: i32, %arg2: memref<32x125x80xi32, #tpu.memory_space<hbm>>, %arg3: memref<2x1x10240xf32, #tpu.memory_space<hbm>>, %arg4: memref<80xf32, #tpu.memory_space<vmem>>, %arg5: memref<125x80xi32, #tpu.memory_space<vmem>>, %arg6: memref<640xf32, #tpu.memory_space<vmem>>, %arg7: memref<10240xf32, #tpu.memory_space<vmem_shared>>) attributes {dimension_semantics = [#tpu.dimension_semantics<core_parallel>, #tpu.dimension_semantics<subcore_parallel>], iteration_bounds = array<i64: 2, 16>, scalar_prefetch = 0 : i64, scratch_operands = 4 : i64, tpu.core_type = #tpu.core_type<sc_vector_subcore>, window_params = [{transform_indices = #map}, {transform_indices = #map}]} {
    %mul3A = arith.constant 2 : i32
    %mul3A_0 = arith.muli %arg1, %mul3A : i32
    %add3A = arith.addi %mul3A_0, %arg0 : i32
    %broadcast_in_dim3A = arith.constant 1.000000e+00 : f32
    %broadcast_in_dim3A_1 = vector.broadcast %broadcast_in_dim3A : f32 to vector<16xf32>
    %swap3A = arith.constant 0 : index
    %swap3A_2 = tpu.vector_load %arg4[%swap3A] {strides = array<i32>} : memref<80xf32, #tpu.memory_space<vmem>>, vector<16xf32>,
    %swap3A_3 = vector.shape_cast %swap3A_2 : vector<16xf32> to vector<16xf32>
    %swap3A_4 = vector.shape_cast %broadcast_in_dim3A_1 : vector<16xf32> to vector<16xf32>
    tpu.vector_store %arg4[%swap3A], %swap3A_4 {strides = array<i32>} : memref<80xf32, #tpu.memory_space<vmem>>, vector<16xf32>,
    %broadcast_in_dim3A_5 = arith.constant 1.000000e+00 : f32
    %broadcast_in_dim3A_6 = vector.broadcast %broadcast_in_dim3A_5 : f32 to vector<16xf32>
    %swap3A_7 = arith.constant 16 : index
    %swap3A_8 = tpu.vector_load %arg4[%swap3A_7] {strides = array<i32>} : memref<80xf32, #tpu.memory_space<vmem>>, vector<16xf32>,
    %swap3A_9 = vector.shape_cast %swap3A_8 : vector<16xf32> to vector<16xf32>
    %swap3A_10 = vector.shape_cast %broadcast_in_dim3A_6 : vector<16xf32> to vector<16xf32>
    tpu.vector_store %arg4[%swap3A_7], %swap3A_10 {strides = array<i32>} : memref<80xf32, #tpu.memory_space<vmem>>, vector<16xf32>,
    %broadcast_in_dim3A_11 = arith.constant 1.000000e+00 : f32
    %broadcast_in_dim3A_12 = vector.broadcast %broadcast_in_dim3A_11 : f32 to vector<16xf32>
    %swap3A_13 = arith.constant 32 : index
    %swap3A_14 = tpu.vector_load %arg4[%swap3A_13] {strides = array<i32>} : memref<80xf32, #tpu.memory_space<vmem>>, vector<16xf32>,
    %swap3A_15 = vector.shape_cast %swap3A_14 : vector<16xf32> to vector<16xf32>
    %swap3A_16 = vector.shape_cast %broadcast_in_dim3A_12 : vector<16xf32> to vector<16xf32>
    tpu.vector_store %arg4[%swap3A_13], %swap3A_16 {strides = array<i32>} : memref<80xf32, #tpu.memory_space<vmem>>, vector<16xf32>,
    %broadcast_in_dim3A_17 = arith.constant 1.000000e+00 : f32
    %broadcast_in_dim3A_18 = vector.broadcast %broadcast_in_dim3A_17 : f32 to vector<16xf32>
    %swap3A_19 = arith.constant 48 : index
    %swap3A_20 = tpu.vector_load %arg4[%swap3A_19] {strides = array<i32>} : memref<80xf32, #tpu.memory_space<vmem>>, vector<16xf32>,
    %swap3A_21 = vector.shape_cast %swap3A_20 : vector<16xf32> to vector<16xf32>
    %swap3A_22 = vector.shape_cast %broadcast_in_dim3A_18 : vector<16xf32> to vector<16xf32>
    tpu.vector_store %arg4[%swap3A_19], %swap3A_22 {strides = array<i32>} : memref<80xf32, #tpu.memory_space<vmem>>, vector<16xf32>,
    %broadcast_in_dim3A_23 = arith.constant 1.000000e+00 : f32
    %broadcast_in_dim3A_24 = vector.broadcast %broadcast_in_dim3A_23 : f32 to vector<16xf32>
    %swap3A_25 = arith.constant 64 : index
    %swap3A_26 = tpu.vector_load %arg4[%swap3A_25] {strides = array<i32>} : memref<80xf32, #tpu.memory_space<vmem>>, vector<16xf32>,
    %swap3A_27 = vector.shape_cast %swap3A_26 : vector<16xf32> to vector<16xf32>
    %swap3A_28 = vector.shape_cast %broadcast_in_dim3A_24 : vector<16xf32> to vector<16xf32>
    tpu.vector_store %arg4[%swap3A_25], %swap3A_28 {strides = array<i32>} : memref<80xf32, #tpu.memory_space<vmem>>, vector<16xf32>,
    %scan3A = arith.constant 0 : i32
    %scan3A_29 = arith.constant 0 : i32
    %scan3A_30 = arith.constant 40 : i32
    %scan3A_31 = arith.addi %scan3A_29, %scan3A_30 : i32
    %scan3A_32 = arith.constant 1 : i32
    %scan3A_33 = scf.for %scan3A_49 = %scan3A_29 to %scan3A_31 step %scan3A_32 iter_args(%scan3A_50 = %scan3A) -> (i32)  : i32 {
      %broadcast_in_dim3A_51 = arith.constant 0.000000e+00 : f32
      %broadcast_in_dim3A_52 = vector.broadcast %broadcast_in_dim3A_51 : f32 to vector<16xf32>
      %mul3A_53 = arith.constant 16 : i32
      %mul3A_54 = arith.muli %scan3A_49, %mul3A_53 : i32
      %swap3A_55 = arith.index_cast %mul3A_54 : i32 to index
      %swap3A_56 = tpu.vector_load %arg6[%swap3A_55] {strides = array<i32>} : memref<640xf32, #tpu.memory_space<vmem>>, vector<16xf32>,
      %swap3A_57 = vector.shape_cast %swap3A_56 : vector<16xf32> to vector<16xf32>
      %swap3A_58 = vector.shape_cast %broadcast_in_dim3A_52 : vector<16xf32> to vector<16xf32>
      tpu.vector_store %arg6[%swap3A_55], %swap3A_58 {strides = array<i32>} : memref<640xf32, #tpu.memory_space<vmem>>, vector<16xf32>,
      %scan3A_59 = arith.constant 0 : i32
      scf.yield %scan3A_59 : i32
    }
    %scan3A_34 = arith.constant 40 : i32
    %mul3A_35 = arith.constant 640 : i32
    %mul3A_36 = arith.muli %arg1, %mul3A_35 : i32
    "tpu.region"() ({
      %run_scoped3A_49 = tpu.sem_alloc : memref<!tpu.dma_semaphore, #tpu.memory_space<semaphore_mem>>
      %dma_start3A = tpu.memref_slice %arg7[%mul3A_36] : memref<10240xf32, #tpu.memory_space<vmem_shared>> -> memref<640xf32, #tpu.memory_space<vmem_shared>>
      %dma_start3A_50 = tpu.memref_slice %arg7[%mul3A_36] : memref<10240xf32, #tpu.memory_space<vmem_shared>> -> memref<640xf32, #tpu.memory_space<vmem_shared>>
      tpu.enqueue_dma source(%arg6 : memref<640xf32, #tpu.memory_space<vmem>>) target(%dma_start3A_50 : memref<640xf32, #tpu.memory_space<vmem_shared>>) target_semaphore(%run_scoped3A_49 : memref<!tpu.dma_semaphore, #tpu.memory_space<semaphore_mem>>)
      %dma_wait3A = tpu.memref_slice %arg7[%mul3A_36] : memref<10240xf32, #tpu.memory_space<vmem_shared>> -> memref<640xf32, #tpu.memory_space<vmem_shared>>
      %dma_wait3A_51 = tpu.memref_slice %arg7[%mul3A_36] : memref<10240xf32, #tpu.memory_space<vmem_shared>> -> memref<640xf32, #tpu.memory_space<vmem_shared>>
      tpu.wait_dma2 semaphore(%run_scoped3A_49 : memref<!tpu.dma_semaphore, #tpu.memory_space<semaphore_mem>>) src(%arg6 : memref<640xf32, #tpu.memory_space<vmem>>) dst(%dma_wait3A_51 : memref<640xf32, #tpu.memory_space<vmem_shared>>)
      tpu.yield
    }) : () -> ()
    %barrier3A = arith.constant 0 : index
    tpu.barrier barrier_id(%barrier3A)
    "tpu.region"() ({
      %run_scoped3A_49 = tpu.sem_alloc : memref<!tpu.dma_semaphore, #tpu.memory_space<semaphore_mem>>
      %dma_start3A = arith.constant 0 : i32
      %dma_start3A_50 = arith.constant 0 : i32
      %dma_start3A_51 = tpu.memref_slice %arg2[%add3A, %dma_start3A, %dma_start3A_50] : memref<32x125x80xi32, #tpu.memory_space<hbm>> -> memref<1x125x80xi32, #tpu.memory_space<hbm>>
      %dma_start3A_52 = tpu.memref_squeeze %dma_start3A_51 : memref<1x125x80xi32, #tpu.memory_space<hbm>> -> memref<125x80xi32, #tpu.memory_space<hbm>>
      %dma_start3A_53 = arith.constant 0 : i32
      %dma_start3A_54 = arith.constant 0 : i32
      %dma_start3A_55 = tpu.memref_slice %arg2[%add3A, %dma_start3A_53, %dma_start3A_54] : memref<32x125x80xi32, #tpu.memory_space<hbm>> -> memref<1x125x80xi32, #tpu.memory_space<hbm>>
      %dma_start3A_56 = tpu.memref_squeeze %dma_start3A_55 : memref<1x125x80xi32, #tpu.memory_space<hbm>> -> memref<125x80xi32, #tpu.memory_space<hbm>>
      tpu.enqueue_dma source(%dma_start3A_56 : memref<125x80xi32, #tpu.memory_space<hbm>>) target(%arg5 : memref<125x80xi32, #tpu.memory_space<vmem>>) target_semaphore(%run_scoped3A_49 : memref<!tpu.dma_semaphore, #tpu.memory_space<semaphore_mem>>)
      %dma_wait3A = arith.constant 0 : i32
      %dma_wait3A_57 = arith.constant 0 : i32
      %dma_wait3A_58 = tpu.memref_slice %arg2[%add3A, %dma_wait3A, %dma_wait3A_57] : memref<32x125x80xi32, #tpu.memory_space<hbm>> -> memref<1x125x80xi32, #tpu.memory_space<hbm>>
      %dma_wait3A_59 = tpu.memref_squeeze %dma_wait3A_58 : memref<1x125x80xi32, #tpu.memory_space<hbm>> -> memref<125x80xi32, #tpu.memory_space<hbm>>
      %dma_wait3A_60 = arith.constant 0 : i32
      %dma_wait3A_61 = arith.constant 0 : i32
      %dma_wait3A_62 = tpu.memref_slice %arg2[%add3A, %dma_wait3A_60, %dma_wait3A_61] : memref<32x125x80xi32, #tpu.memory_space<hbm>> -> memref<1x125x80xi32, #tpu.memory_space<hbm>>
      %dma_wait3A_63 = tpu.memref_squeeze %dma_wait3A_62 : memref<1x125x80xi32, #tpu.memory_space<hbm>> -> memref<125x80xi32, #tpu.memory_space<hbm>>
      tpu.wait_dma2 semaphore(%run_scoped3A_49 : memref<!tpu.dma_semaphore, #tpu.memory_space<semaphore_mem>>) src(%dma_wait3A_63 : memref<125x80xi32, #tpu.memory_space<hbm>>) dst(%arg5 : memref<125x80xi32, #tpu.memory_space<vmem>>)
      tpu.yield
    }) : () -> ()
    %scan3A_37 = arith.constant 0 : i32
    %scan3A_38 = arith.constant 0 : i32
    %scan3A_39 = arith.constant 125 : i32
    %scan3A_40 = arith.addi %scan3A_38, %scan3A_39 : i32
    %scan3A_41 = arith.constant 1 : i32
    %scan3A_42 = scf.for %scan3A_49 = %scan3A_38 to %scan3A_40 step %scan3A_41 iter_args(%scan3A_50 = %scan3A_37) -> (i32)  : i32 {
      "tpu.region"() ({
        %run_scoped3A_52 = tpu.sem_alloc : memref<!tpu.dma_semaphore, #tpu.memory_space<semaphore_mem>>
        %dma_start3A = arith.constant 0 : i32
        %dma_start3A_53 = tpu.memref_slice %arg5[%scan3A_49, %dma_start3A] : memref<125x80xi32, #tpu.memory_space<vmem>> -> memref<1x80xi32, #tpu.memory_space<vmem>>
        %dma_start3A_54 = tpu.memref_squeeze %dma_start3A_53 : memref<1x80xi32, #tpu.memory_space<vmem>> -> memref<80xi32, #tpu.memory_space<vmem>>
        %dma_start3A_55 = arith.constant 0 : i32
        %dma_start3A_56 = tpu.memref_slice %arg7[%dma_start3A_55] : memref<10240xf32, #tpu.memory_space<vmem_shared>> -> memref<10240xf32, #tpu.memory_space<vmem_shared>>
        tpu.enqueue_indirect_dma source(%arg4 : memref<80xf32, #tpu.memory_space<vmem>>) target(%dma_start3A_56 : memref<10240xf32, #tpu.memory_space<vmem_shared>>) offsets(%dma_start3A_54 : memref<80xi32, #tpu.memory_space<vmem>>) semaphore(%run_scoped3A_52 : memref<!tpu.dma_semaphore, #tpu.memory_space<semaphore_mem>>) {add = true}
        %dma_wait3A = arith.constant 0 : i32
        %dma_wait3A_57 = tpu.memref_slice %arg5[%scan3A_49, %dma_wait3A] : memref<125x80xi32, #tpu.memory_space<vmem>> -> memref<1x80xi32, #tpu.memory_space<vmem>>
        %dma_wait3A_58 = tpu.memref_squeeze %dma_wait3A_57 : memref<1x80xi32, #tpu.memory_space<vmem>> -> memref<80xi32, #tpu.memory_space<vmem>>
        %dma_wait3A_59 = arith.constant 0 : i32
        %dma_wait3A_60 = tpu.memref_slice %arg7[%dma_wait3A_59] : memref<10240xf32, #tpu.memory_space<vmem_shared>> -> memref<10240xf32, #tpu.memory_space<vmem_shared>>
        tpu.wait_indirect_dma semaphore(%run_scoped3A_52 : memref<!tpu.dma_semaphore, #tpu.memory_space<semaphore_mem>>) src(%arg4 : memref<80xf32, #tpu.memory_space<vmem>>) dst(%dma_wait3A_60 : memref<10240xf32, #tpu.memory_space<vmem_shared>>)
        tpu.yield
      }) : () -> ()
      %scan3A_51 = arith.constant 0 : i32
      scf.yield %scan3A_51 : i32
    }
    %scan3A_43 = arith.constant 125 : i32
    %barrier3A_44 = arith.constant 0 : index
    tpu.barrier barrier_id(%barrier3A_44)
    %mul3A_45 = arith.constant 640 : i32
    %mul3A_46 = arith.muli %arg1, %mul3A_45 : i32
    %mul3A_47 = arith.constant 640 : i32
    %mul3A_48 = arith.muli %arg1, %mul3A_47 : i32
    %run_scoped3A = arith.constant 0 : i32
    "tpu.region"() ({
      %run_scoped3A_49 = tpu.sem_alloc : memref<!tpu.dma_semaphore, #tpu.memory_space<semaphore_mem>>
      %dma_start3A = tpu.memref_slice %arg3[%arg0, %run_scoped3A, %mul3A_48] : memref<2x1x10240xf32, #tpu.memory_space<hbm>> -> memref<1x1x640xf32, #tpu.memory_space<hbm>>
      %dma_start3A_50 = tpu.memref_squeeze %dma_start3A : memref<1x1x640xf32, #tpu.memory_space<hbm>> -> memref<640xf32, #tpu.memory_space<hbm>>
      %dma_start3A_51 = tpu.memref_slice %arg7[%mul3A_46] : memref<10240xf32, #tpu.memory_space<vmem_shared>> -> memref<640xf32, #tpu.memory_space<vmem_shared>>
      tpu.enqueue_dma source(%dma_start3A_51 : memref<640xf32, #tpu.memory_space<vmem_shared>>) target(%dma_start3A_50 : memref<640xf32, #tpu.memory_space<hbm>>) target_semaphore(%run_scoped3A_49 : memref<!tpu.dma_semaphore, #tpu.memory_space<semaphore_mem>>)
      %dma_wait3A = tpu.memref_slice %arg3[%arg0, %run_scoped3A, %mul3A_48] : memref<2x1x10240xf32, #tpu.memory_space<hbm>> -> memref<1x1x640xf32, #tpu.memory_space<hbm>>
      %dma_wait3A_52 = tpu.memref_squeeze %dma_wait3A : memref<1x1x640xf32, #tpu.memory_space<hbm>> -> memref<640xf32, #tpu.memory_space<hbm>>
      %dma_wait3A_53 = tpu.memref_slice %arg7[%mul3A_46] : memref<10240xf32, #tpu.memory_space<vmem_shared>> -> memref<640xf32, #tpu.memory_space<vmem_shared>>
      tpu.wait_dma2 semaphore(%run_scoped3A_49 : memref<!tpu.dma_semaphore, #tpu.memory_space<semaphore_mem>>) src(%dma_wait3A_53 : memref<640xf32, #tpu.memory_space<vmem_shared>>) dst(%dma_wait3A_52 : memref<640xf32, #tpu.memory_space<hbm>>)
      tpu.yield
    }) : () -> ()
    return
  }
}

#map = affine_map<(d0, d1) -> (0, 0)>
#map1 = affine_map<(d0, d1) -> (0, 0, 0, 0)>
#map2 = affine_map<(d0, d1) -> (0, 0, 0)>
module attributes {stable_mosaic.version = 14 : i64} {
  func.func @_agg_kernel(%arg0: i32, %arg1: i32, %arg2: memref<20000x64xf32, #tpu.memory_space<hbm>>, %arg3: memref<2x16x79x256xi32, #tpu.memory_space<hbm>>, %arg4: memref<16x79x256xi32, #tpu.memory_space<hbm>>, %arg5: memref<2x10240x64xf32, #tpu.memory_space<hbm>>, %arg6: memref<79x256xi32, #tpu.memory_space<vmem>>, %arg7: memref<79x256xi32, #tpu.memory_space<vmem>>, %arg8: memref<2x256x64xf32, #tpu.memory_space<vmem>>, %arg9: memref<128x64xf32, #tpu.memory_space<vmem>>, %arg10: memref<10240x64xf32, #tpu.memory_space<vmem_shared>>, %arg11: memref<2x!tpu.dma_semaphore, #tpu.memory_space<semaphore_mem>>) attributes {dimension_semantics = [#tpu.dimension_semantics<core_parallel>, #tpu.dimension_semantics<subcore_parallel>], iteration_bounds = array<i64: 2, 16>, scalar_prefetch = 0 : i64, scratch_operands = 6 : i64, tpu.core_type = #tpu.core_type<sc_vector_subcore>, window_params = [{transform_indices = #map}, {transform_indices = #map1}, {transform_indices = #map2}, {transform_indices = #map2}]} {
    %scan3A = arith.constant 0 : i32
    %scan3A_0 = arith.constant 0 : i32
    %scan3A_1 = arith.constant 128 : i32
    %scan3A_2 = arith.addi %scan3A_0, %scan3A_1 : i32
    %scan3A_3 = arith.constant 1 : i32
    %scan3A_4 = scf.for %scan3A_80 = %scan3A_0 to %scan3A_2 step %scan3A_3 iter_args(%scan3A_81 = %scan3A) -> (i32)  : i32 {
      %broadcast_in_dim3A = arith.constant 0.000000e+00 : f32
      %broadcast_in_dim3A_82 = vector.broadcast %broadcast_in_dim3A : f32 to vector<16xf32>
      %swap3A = arith.index_cast %scan3A_80 : i32 to index
      %swap3A_83 = arith.constant 0 : index
      %swap3A_84 = tpu.vector_load %arg9[%swap3A, %swap3A_83] {strides = array<i32>} : memref<128x64xf32, #tpu.memory_space<vmem>>, vector<1x16xf32>,
      %swap3A_85 = vector.shape_cast %swap3A_84 : vector<1x16xf32> to vector<16xf32>
      %swap3A_86 = vector.shape_cast %broadcast_in_dim3A_82 : vector<16xf32> to vector<1x16xf32>
      tpu.vector_store %arg9[%swap3A, %swap3A_83], %swap3A_86 {strides = array<i32>} : memref<128x64xf32, #tpu.memory_space<vmem>>, vector<1x16xf32>,
      %broadcast_in_dim3A_87 = arith.constant 0.000000e+00 : f32
      %broadcast_in_dim3A_88 = vector.broadcast %broadcast_in_dim3A_87 : f32 to vector<16xf32>
      %swap3A_89 = arith.index_cast %scan3A_80 : i32 to index
      %swap3A_90 = arith.constant 16 : index
      %swap3A_91 = tpu.vector_load %arg9[%swap3A_89, %swap3A_90] {strides = array<i32>} : memref<128x64xf32, #tpu.memory_space<vmem>>, vector<1x16xf32>,
      %swap3A_92 = vector.shape_cast %swap3A_91 : vector<1x16xf32> to vector<16xf32>
      %swap3A_93 = vector.shape_cast %broadcast_in_dim3A_88 : vector<16xf32> to vector<1x16xf32>
      tpu.vector_store %arg9[%swap3A_89, %swap3A_90], %swap3A_93 {strides = array<i32>} : memref<128x64xf32, #tpu.memory_space<vmem>>, vector<1x16xf32>,
      %broadcast_in_dim3A_94 = arith.constant 0.000000e+00 : f32
      %broadcast_in_dim3A_95 = vector.broadcast %broadcast_in_dim3A_94 : f32 to vector<16xf32>
      %swap3A_96 = arith.index_cast %scan3A_80 : i32 to index
      %swap3A_97 = arith.constant 32 : index
      %swap3A_98 = tpu.vector_load %arg9[%swap3A_96, %swap3A_97] {strides = array<i32>} : memref<128x64xf32, #tpu.memory_space<vmem>>, vector<1x16xf32>,
      %swap3A_99 = vector.shape_cast %swap3A_98 : vector<1x16xf32> to vector<16xf32>
      %swap3A_100 = vector.shape_cast %broadcast_in_dim3A_95 : vector<16xf32> to vector<1x16xf32>
      tpu.vector_store %arg9[%swap3A_96, %swap3A_97], %swap3A_100 {strides = array<i32>} : memref<128x64xf32, #tpu.memory_space<vmem>>, vector<1x16xf32>,
      %broadcast_in_dim3A_101 = arith.constant 0.000000e+00 : f32
      %broadcast_in_dim3A_102 = vector.broadcast %broadcast_in_dim3A_101 : f32 to vector<16xf32>
      %swap3A_103 = arith.index_cast %scan3A_80 : i32 to index
      %swap3A_104 = arith.constant 48 : index
      %swap3A_105 = tpu.vector_load %arg9[%swap3A_103, %swap3A_104] {strides = array<i32>} : memref<128x64xf32, #tpu.memory_space<vmem>>, vector<1x16xf32>,
      %swap3A_106 = vector.shape_cast %swap3A_105 : vector<1x16xf32> to vector<16xf32>
      %swap3A_107 = vector.shape_cast %broadcast_in_dim3A_102 : vector<16xf32> to vector<1x16xf32>
      tpu.vector_store %arg9[%swap3A_103, %swap3A_104], %swap3A_107 {strides = array<i32>} : memref<128x64xf32, #tpu.memory_space<vmem>>, vector<1x16xf32>,
      %scan3A_108 = arith.constant 0 : i32
      scf.yield %scan3A_108 : i32
    }
    %scan3A_5 = arith.constant 128 : i32
    %mul3A = arith.constant 640 : i32
    %mul3A_6 = arith.muli %arg1, %mul3A : i32
    %add3A = arith.constant 0 : i32
    %add3A_7 = arith.addi %mul3A_6, %add3A : i32
    "tpu.region"() ({
      %run_scoped3A_80 = tpu.sem_alloc : memref<!tpu.dma_semaphore, #tpu.memory_space<semaphore_mem>>
      %dma_start3A_81 = arith.constant 0 : i32
      %dma_start3A_82 = tpu.memref_slice %arg10[%add3A_7, %dma_start3A_81] : memref<10240x64xf32, #tpu.memory_space<vmem_shared>> -> memref<128x64xf32, #tpu.memory_space<vmem_shared>>
      %dma_start3A_83 = arith.constant 0 : i32
      %dma_start3A_84 = tpu.memref_slice %arg10[%add3A_7, %dma_start3A_83] : memref<10240x64xf32, #tpu.memory_space<vmem_shared>> -> memref<128x64xf32, #tpu.memory_space<vmem_shared>>
      tpu.enqueue_dma source(%arg9 : memref<128x64xf32, #tpu.memory_space<vmem>>) target(%dma_start3A_84 : memref<128x64xf32, #tpu.memory_space<vmem_shared>>) target_semaphore(%run_scoped3A_80 : memref<!tpu.dma_semaphore, #tpu.memory_space<semaphore_mem>>)
      %dma_wait3A_85 = arith.constant 0 : i32
      %dma_wait3A_86 = tpu.memref_slice %arg10[%add3A_7, %dma_wait3A_85] : memref<10240x64xf32, #tpu.memory_space<vmem_shared>> -> memref<128x64xf32, #tpu.memory_space<vmem_shared>>
      %dma_wait3A_87 = arith.constant 0 : i32
      %dma_wait3A_88 = tpu.memref_slice %arg10[%add3A_7, %dma_wait3A_87] : memref<10240x64xf32, #tpu.memory_space<vmem_shared>> -> memref<128x64xf32, #tpu.memory_space<vmem_shared>>
      tpu.wait_dma2 semaphore(%run_scoped3A_80 : memref<!tpu.dma_semaphore, #tpu.memory_space<semaphore_mem>>) src(%arg9 : memref<128x64xf32, #tpu.memory_space<vmem>>) dst(%dma_wait3A_88 : memref<128x64xf32, #tpu.memory_space<vmem_shared>>)
      tpu.yield
    }) : () -> ()
    %mul3A_8 = arith.constant 640 : i32
    %mul3A_9 = arith.muli %arg1, %mul3A_8 : i32
    %add3A_10 = arith.constant 128 : i32
    %add3A_11 = arith.addi %mul3A_9, %add3A_10 : i32
    "tpu.region"() ({
      %run_scoped3A_80 = tpu.sem_alloc : memref<!tpu.dma_semaphore, #tpu.memory_space<semaphore_mem>>
      %dma_start3A_81 = arith.constant 0 : i32
      %dma_start3A_82 = tpu.memref_slice %arg10[%add3A_11, %dma_start3A_81] : memref<10240x64xf32, #tpu.memory_space<vmem_shared>> -> memref<128x64xf32, #tpu.memory_space<vmem_shared>>
      %dma_start3A_83 = arith.constant 0 : i32
      %dma_start3A_84 = tpu.memref_slice %arg10[%add3A_11, %dma_start3A_83] : memref<10240x64xf32, #tpu.memory_space<vmem_shared>> -> memref<128x64xf32, #tpu.memory_space<vmem_shared>>
      tpu.enqueue_dma source(%arg9 : memref<128x64xf32, #tpu.memory_space<vmem>>) target(%dma_start3A_84 : memref<128x64xf32, #tpu.memory_space<vmem_shared>>) target_semaphore(%run_scoped3A_80 : memref<!tpu.dma_semaphore, #tpu.memory_space<semaphore_mem>>)
      %dma_wait3A_85 = arith.constant 0 : i32
      %dma_wait3A_86 = tpu.memref_slice %arg10[%add3A_11, %dma_wait3A_85] : memref<10240x64xf32, #tpu.memory_space<vmem_shared>> -> memref<128x64xf32, #tpu.memory_space<vmem_shared>>
      %dma_wait3A_87 = arith.constant 0 : i32
      %dma_wait3A_88 = tpu.memref_slice %arg10[%add3A_11, %dma_wait3A_87] : memref<10240x64xf32, #tpu.memory_space<vmem_shared>> -> memref<128x64xf32, #tpu.memory_space<vmem_shared>>
      tpu.wait_dma2 semaphore(%run_scoped3A_80 : memref<!tpu.dma_semaphore, #tpu.memory_space<semaphore_mem>>) src(%arg9 : memref<128x64xf32, #tpu.memory_space<vmem>>) dst(%dma_wait3A_88 : memref<128x64xf32, #tpu.memory_space<vmem_shared>>)
      tpu.yield
    }) : () -> ()
    %mul3A_12 = arith.constant 640 : i32
    %mul3A_13 = arith.muli %arg1, %mul3A_12 : i32
    %add3A_14 = arith.constant 256 : i32
    %add3A_15 = arith.addi %mul3A_13, %add3A_14 : i32
    "tpu.region"() ({
      %run_scoped3A_80 = tpu.sem_alloc : memref<!tpu.dma_semaphore, #tpu.memory_space<semaphore_mem>>
      %dma_start3A_81 = arith.constant 0 : i32
      %dma_start3A_82 = tpu.memref_slice %arg10[%add3A_15, %dma_start3A_81] : memref<10240x64xf32, #tpu.memory_space<vmem_shared>> -> memref<128x64xf32, #tpu.memory_space<vmem_shared>>
      %dma_start3A_83 = arith.constant 0 : i32
      %dma_start3A_84 = tpu.memref_slice %arg10[%add3A_15, %dma_start3A_83] : memref<10240x64xf32, #tpu.memory_space<vmem_shared>> -> memref<128x64xf32, #tpu.memory_space<vmem_shared>>
      tpu.enqueue_dma source(%arg9 : memref<128x64xf32, #tpu.memory_space<vmem>>) target(%dma_start3A_84 : memref<128x64xf32, #tpu.memory_space<vmem_shared>>) target_semaphore(%run_scoped3A_80 : memref<!tpu.dma_semaphore, #tpu.memory_space<semaphore_mem>>)
      %dma_wait3A_85 = arith.constant 0 : i32
      %dma_wait3A_86 = tpu.memref_slice %arg10[%add3A_15, %dma_wait3A_85] : memref<10240x64xf32, #tpu.memory_space<vmem_shared>> -> memref<128x64xf32, #tpu.memory_space<vmem_shared>>
      %dma_wait3A_87 = arith.constant 0 : i32
      %dma_wait3A_88 = tpu.memref_slice %arg10[%add3A_15, %dma_wait3A_87] : memref<10240x64xf32, #tpu.memory_space<vmem_shared>> -> memref<128x64xf32, #tpu.memory_space<vmem_shared>>
      tpu.wait_dma2 semaphore(%run_scoped3A_80 : memref<!tpu.dma_semaphore, #tpu.memory_space<semaphore_mem>>) src(%arg9 : memref<128x64xf32, #tpu.memory_space<vmem>>) dst(%dma_wait3A_88 : memref<128x64xf32, #tpu.memory_space<vmem_shared>>)
      tpu.yield
    }) : () -> ()
    %mul3A_16 = arith.constant 640 : i32
    %mul3A_17 = arith.muli %arg1, %mul3A_16 : i32
    %add3A_18 = arith.constant 384 : i32
    %add3A_19 = arith.addi %mul3A_17, %add3A_18 : i32
    "tpu.region"() ({
      %run_scoped3A_80 = tpu.sem_alloc : memref<!tpu.dma_semaphore, #tpu.memory_space<semaphore_mem>>
      %dma_start3A_81 = arith.constant 0 : i32
      %dma_start3A_82 = tpu.memref_slice %arg10[%add3A_19, %dma_start3A_81] : memref<10240x64xf32, #tpu.memory_space<vmem_shared>> -> memref<128x64xf32, #tpu.memory_space<vmem_shared>>
      %dma_start3A_83 = arith.constant 0 : i32
      %dma_start3A_84 = tpu.memref_slice %arg10[%add3A_19, %dma_start3A_83] : memref<10240x64xf32, #tpu.memory_space<vmem_shared>> -> memref<128x64xf32, #tpu.memory_space<vmem_shared>>
      tpu.enqueue_dma source(%arg9 : memref<128x64xf32, #tpu.memory_space<vmem>>) target(%dma_start3A_84 : memref<128x64xf32, #tpu.memory_space<vmem_shared>>) target_semaphore(%run_scoped3A_80 : memref<!tpu.dma_semaphore, #tpu.memory_space<semaphore_mem>>)
      %dma_wait3A_85 = arith.constant 0 : i32
      %dma_wait3A_86 = tpu.memref_slice %arg10[%add3A_19, %dma_wait3A_85] : memref<10240x64xf32, #tpu.memory_space<vmem_shared>> -> memref<128x64xf32, #tpu.memory_space<vmem_shared>>
      %dma_wait3A_87 = arith.constant 0 : i32
      %dma_wait3A_88 = tpu.memref_slice %arg10[%add3A_19, %dma_wait3A_87] : memref<10240x64xf32, #tpu.memory_space<vmem_shared>> -> memref<128x64xf32, #tpu.memory_space<vmem_shared>>
      tpu.wait_dma2 semaphore(%run_scoped3A_80 : memref<!tpu.dma_semaphore, #tpu.memory_space<semaphore_mem>>) src(%arg9 : memref<128x64xf32, #tpu.memory_space<vmem>>) dst(%dma_wait3A_88 : memref<128x64xf32, #tpu.memory_space<vmem_shared>>)
      tpu.yield
    }) : () -> ()
    %mul3A_20 = arith.constant 640 : i32
    %mul3A_21 = arith.muli %arg1, %mul3A_20 : i32
    %add3A_22 = arith.constant 512 : i32
    %add3A_23 = arith.addi %mul3A_21, %add3A_22 : i32
    "tpu.region"() ({
      %run_scoped3A_80 = tpu.sem_alloc : memref<!tpu.dma_semaphore, #tpu.memory_space<semaphore_mem>>
      %dma_start3A_81 = arith.constant 0 : i32
      %dma_start3A_82 = tpu.memref_slice %arg10[%add3A_23, %dma_start3A_81] : memref<10240x64xf32, #tpu.memory_space<vmem_shared>> -> memref<128x64xf32, #tpu.memory_space<vmem_shared>>
      %dma_start3A_83 = arith.constant 0 : i32
      %dma_start3A_84 = tpu.memref_slice %arg10[%add3A_23, %dma_start3A_83] : memref<10240x64xf32, #tpu.memory_space<vmem_shared>> -> memref<128x64xf32, #tpu.memory_space<vmem_shared>>
      tpu.enqueue_dma source(%arg9 : memref<128x64xf32, #tpu.memory_space<vmem>>) target(%dma_start3A_84 : memref<128x64xf32, #tpu.memory_space<vmem_shared>>) target_semaphore(%run_scoped3A_80 : memref<!tpu.dma_semaphore, #tpu.memory_space<semaphore_mem>>)
      %dma_wait3A_85 = arith.constant 0 : i32
      %dma_wait3A_86 = tpu.memref_slice %arg10[%add3A_23, %dma_wait3A_85] : memref<10240x64xf32, #tpu.memory_space<vmem_shared>> -> memref<128x64xf32, #tpu.memory_space<vmem_shared>>
      %dma_wait3A_87 = arith.constant 0 : i32
      %dma_wait3A_88 = tpu.memref_slice %arg10[%add3A_23, %dma_wait3A_87] : memref<10240x64xf32, #tpu.memory_space<vmem_shared>> -> memref<128x64xf32, #tpu.memory_space<vmem_shared>>
      tpu.wait_dma2 semaphore(%run_scoped3A_80 : memref<!tpu.dma_semaphore, #tpu.memory_space<semaphore_mem>>) src(%arg9 : memref<128x64xf32, #tpu.memory_space<vmem>>) dst(%dma_wait3A_88 : memref<128x64xf32, #tpu.memory_space<vmem_shared>>)
      tpu.yield
    }) : () -> ()
    %barrier3A = arith.constant 0 : index
    tpu.barrier barrier_id(%barrier3A)
    "tpu.region"() ({
      %run_scoped3A_80 = tpu.sem_alloc : memref<!tpu.dma_semaphore, #tpu.memory_space<semaphore_mem>>
      %dma_start3A_81 = arith.constant 0 : i32
      %dma_start3A_82 = arith.constant 0 : i32
      %dma_start3A_83 = tpu.memref_slice %arg3[%arg0, %arg1, %dma_start3A_81, %dma_start3A_82] : memref<2x16x79x256xi32, #tpu.memory_space<hbm>> -> memref<1x1x79x256xi32, #tpu.memory_space<hbm>>
      %dma_start3A_84 = tpu.memref_squeeze %dma_start3A_83 : memref<1x1x79x256xi32, #tpu.memory_space<hbm>> -> memref<79x256xi32, #tpu.memory_space<hbm>>
      %dma_start3A_85 = arith.constant 0 : i32
      %dma_start3A_86 = arith.constant 0 : i32
      %dma_start3A_87 = tpu.memref_slice %arg3[%arg0, %arg1, %dma_start3A_85, %dma_start3A_86] : memref<2x16x79x256xi32, #tpu.memory_space<hbm>> -> memref<1x1x79x256xi32, #tpu.memory_space<hbm>>
      %dma_start3A_88 = tpu.memref_squeeze %dma_start3A_87 : memref<1x1x79x256xi32, #tpu.memory_space<hbm>> -> memref<79x256xi32, #tpu.memory_space<hbm>>
      tpu.enqueue_dma source(%dma_start3A_88 : memref<79x256xi32, #tpu.memory_space<hbm>>) target(%arg6 : memref<79x256xi32, #tpu.memory_space<vmem>>) target_semaphore(%run_scoped3A_80 : memref<!tpu.dma_semaphore, #tpu.memory_space<semaphore_mem>>)
      %dma_wait3A_89 = arith.constant 0 : i32
      %dma_wait3A_90 = arith.constant 0 : i32
      %dma_wait3A_91 = tpu.memref_slice %arg3[%arg0, %arg1, %dma_wait3A_89, %dma_wait3A_90] : memref<2x16x79x256xi32, #tpu.memory_space<hbm>> -> memref<1x1x79x256xi32, #tpu.memory_space<hbm>>
      %dma_wait3A_92 = tpu.memref_squeeze %dma_wait3A_91 : memref<1x1x79x256xi32, #tpu.memory_space<hbm>> -> memref<79x256xi32, #tpu.memory_space<hbm>>
      %dma_wait3A_93 = arith.constant 0 : i32
      %dma_wait3A_94 = arith.constant 0 : i32
      %dma_wait3A_95 = tpu.memref_slice %arg3[%arg0, %arg1, %dma_wait3A_93, %dma_wait3A_94] : memref<2x16x79x256xi32, #tpu.memory_space<hbm>> -> memref<1x1x79x256xi32, #tpu.memory_space<hbm>>
      %dma_wait3A_96 = tpu.memref_squeeze %dma_wait3A_95 : memref<1x1x79x256xi32, #tpu.memory_space<hbm>> -> memref<79x256xi32, #tpu.memory_space<hbm>>
      tpu.wait_dma2 semaphore(%run_scoped3A_80 : memref<!tpu.dma_semaphore, #tpu.memory_space<semaphore_mem>>) src(%dma_wait3A_96 : memref<79x256xi32, #tpu.memory_space<hbm>>) dst(%arg6 : memref<79x256xi32, #tpu.memory_space<vmem>>)
      tpu.yield
    }) : () -> ()
    "tpu.region"() ({
      %run_scoped3A_80 = tpu.sem_alloc : memref<!tpu.dma_semaphore, #tpu.memory_space<semaphore_mem>>
      %dma_start3A_81 = arith.constant 0 : i32
      %dma_start3A_82 = arith.constant 0 : i32
      %dma_start3A_83 = tpu.memref_slice %arg4[%arg1, %dma_start3A_81, %dma_start3A_82] : memref<16x79x256xi32, #tpu.memory_space<hbm>> -> memref<1x79x256xi32, #tpu.memory_space<hbm>>
      %dma_start3A_84 = tpu.memref_squeeze %dma_start3A_83 : memref<1x79x256xi32, #tpu.memory_space<hbm>> -> memref<79x256xi32, #tpu.memory_space<hbm>>
      %dma_start3A_85 = arith.constant 0 : i32
      %dma_start3A_86 = arith.constant 0 : i32
      %dma_start3A_87 = tpu.memref_slice %arg4[%arg1, %dma_start3A_85, %dma_start3A_86] : memref<16x79x256xi32, #tpu.memory_space<hbm>> -> memref<1x79x256xi32, #tpu.memory_space<hbm>>
      %dma_start3A_88 = tpu.memref_squeeze %dma_start3A_87 : memref<1x79x256xi32, #tpu.memory_space<hbm>> -> memref<79x256xi32, #tpu.memory_space<hbm>>
      tpu.enqueue_dma source(%dma_start3A_88 : memref<79x256xi32, #tpu.memory_space<hbm>>) target(%arg7 : memref<79x256xi32, #tpu.memory_space<vmem>>) target_semaphore(%run_scoped3A_80 : memref<!tpu.dma_semaphore, #tpu.memory_space<semaphore_mem>>)
      %dma_wait3A_89 = arith.constant 0 : i32
      %dma_wait3A_90 = arith.constant 0 : i32
      %dma_wait3A_91 = tpu.memref_slice %arg4[%arg1, %dma_wait3A_89, %dma_wait3A_90] : memref<16x79x256xi32, #tpu.memory_space<hbm>> -> memref<1x79x256xi32, #tpu.memory_space<hbm>>
      %dma_wait3A_92 = tpu.memref_squeeze %dma_wait3A_91 : memref<1x79x256xi32, #tpu.memory_space<hbm>> -> memref<79x256xi32, #tpu.memory_space<hbm>>
      %dma_wait3A_93 = arith.constant 0 : i32
      %dma_wait3A_94 = arith.constant 0 : i32
      %dma_wait3A_95 = tpu.memref_slice %arg4[%arg1, %dma_wait3A_93, %dma_wait3A_94] : memref<16x79x256xi32, #tpu.memory_space<hbm>> -> memref<1x79x256xi32, #tpu.memory_space<hbm>>
      %dma_wait3A_96 = tpu.memref_squeeze %dma_wait3A_95 : memref<1x79x256xi32, #tpu.memory_space<hbm>> -> memref<79x256xi32, #tpu.memory_space<hbm>>
      tpu.wait_dma2 semaphore(%run_scoped3A_80 : memref<!tpu.dma_semaphore, #tpu.memory_space<semaphore_mem>>) src(%dma_wait3A_96 : memref<79x256xi32, #tpu.memory_space<hbm>>) dst(%arg7 : memref<79x256xi32, #tpu.memory_space<vmem>>)
      tpu.yield
    }) : () -> ()
    %dma_start3A = arith.constant 0 : i32
    %dma_start3A_24 = arith.constant 0 : i32
    %dma_start3A_25 = arith.constant 0 : i32
    %dma_start3A_26 = arith.constant 0 : i32
    %dma_start3A_27 = arith.constant 0 : i32
    %dma_start3A_28 = tpu.memref_slice %arg8[%dma_start3A_24, %dma_start3A_26, %dma_start3A_27] : memref<2x256x64xf32, #tpu.memory_space<vmem>> -> memref<1x256x64xf32, #tpu.memory_space<vmem>>
    %dma_start3A_29 = tpu.memref_squeeze %dma_start3A_28 : memref<1x256x64xf32, #tpu.memory_space<vmem>> -> memref<256x64xf32, #tpu.memory_space<vmem>>
    %dma_start3A_30 = arith.constant 0 : i32
    %dma_start3A_31 = tpu.memref_slice %arg6[%dma_start3A, %dma_start3A_30] : memref<79x256xi32, #tpu.memory_space<vmem>> -> memref<1x256xi32, #tpu.memory_space<vmem>>
    %dma_start3A_32 = tpu.memref_squeeze %dma_start3A_31 : memref<1x256xi32, #tpu.memory_space<vmem>> -> memref<256xi32, #tpu.memory_space<vmem>>
    %dma_start3A_33 = arith.constant 0 : i32
    %dma_start3A_34 = arith.constant 0 : i32
    %dma_start3A_35 = tpu.memref_slice %arg2[%dma_start3A_33, %dma_start3A_34] : memref<20000x64xf32, #tpu.memory_space<hbm>> -> memref<20000x64xf32, #tpu.memory_space<hbm>>
    %dma_start3A_36 = tpu.memref_slice %arg11[%dma_start3A_25] : memref<2x!tpu.dma_semaphore, #tpu.memory_space<semaphore_mem>> -> memref<1x!tpu.dma_semaphore, #tpu.memory_space<semaphore_mem>>
    %dma_start3A_37 = tpu.memref_squeeze %dma_start3A_36 : memref<1x!tpu.dma_semaphore, #tpu.memory_space<semaphore_mem>> -> memref<!tpu.dma_semaphore, #tpu.memory_space<semaphore_mem>>
    tpu.enqueue_indirect_dma source(%dma_start3A_35 : memref<20000x64xf32, #tpu.memory_space<hbm>>) target(%dma_start3A_29 : memref<256x64xf32, #tpu.memory_space<vmem>>) offsets(%dma_start3A_32 : memref<256xi32, #tpu.memory_space<vmem>>) semaphore(%dma_start3A_37 : memref<!tpu.dma_semaphore, #tpu.memory_space<semaphore_mem>>)
    %dma_start3A_38 = arith.constant 1 : i32
    %dma_start3A_39 = arith.constant 1 : i32
    %dma_start3A_40 = arith.constant 1 : i32
    %dma_start3A_41 = arith.constant 0 : i32
    %dma_start3A_42 = arith.constant 0 : i32
    %dma_start3A_43 = tpu.memref_slice %arg8[%dma_start3A_39, %dma_start3A_41, %dma_start3A_42] : memref<2x256x64xf32, #tpu.memory_space<vmem>> -> memref<1x256x64xf32, #tpu.memory_space<vmem>>
    %dma_start3A_44 = tpu.memref_squeeze %dma_start3A_43 : memref<1x256x64xf32, #tpu.memory_space<vmem>> -> memref<256x64xf32, #tpu.memory_space<vmem>>
    %dma_start3A_45 = arith.constant 0 : i32
    %dma_start3A_46 = tpu.memref_slice %arg6[%dma_start3A_38, %dma_start3A_45] : memref<79x256xi32, #tpu.memory_space<vmem>> -> memref<1x256xi32, #tpu.memory_space<vmem>>
    %dma_start3A_47 = tpu.memref_squeeze %dma_start3A_46 : memref<1x256xi32, #tpu.memory_space<vmem>> -> memref<256xi32, #tpu.memory_space<vmem>>
    %dma_start3A_48 = arith.constant 0 : i32
    %dma_start3A_49 = arith.constant 0 : i32
    %dma_start3A_50 = tpu.memref_slice %arg2[%dma_start3A_48, %dma_start3A_49] : memref<20000x64xf32, #tpu.memory_space<hbm>> -> memref<20000x64xf32, #tpu.memory_space<hbm>>
    %dma_start3A_51 = tpu.memref_slice %arg11[%dma_start3A_40] : memref<2x!tpu.dma_semaphore, #tpu.memory_space<semaphore_mem>> -> memref<1x!tpu.dma_semaphore, #tpu.memory_space<semaphore_mem>>
    %dma_start3A_52 = tpu.memref_squeeze %dma_start3A_51 : memref<1x!tpu.dma_semaphore, #tpu.memory_space<semaphore_mem>> -> memref<!tpu.dma_semaphore, #tpu.memory_space<semaphore_mem>>
    tpu.enqueue_indirect_dma source(%dma_start3A_50 : memref<20000x64xf32, #tpu.memory_space<hbm>>) target(%dma_start3A_44 : memref<256x64xf32, #tpu.memory_space<vmem>>) offsets(%dma_start3A_47 : memref<256xi32, #tpu.memory_space<vmem>>) semaphore(%dma_start3A_52 : memref<!tpu.dma_semaphore, #tpu.memory_space<semaphore_mem>>)
    %scan3A_53 = arith.constant 0 : i32
    %scan3A_54 = arith.constant 0 : i32
    %scan3A_55 = arith.constant 39 : i32
    %scan3A_56 = arith.addi %scan3A_54, %scan3A_55 : i32
    %scan3A_57 = arith.constant 1 : i32
    %scan3A_58 = scf.for %scan3A_80 = %scan3A_54 to %scan3A_56 step %scan3A_57 iter_args(%scan3A_81 = %scan3A_53) -> (i32)  : i32 {
      %mul3A_82 = arith.constant 2 : i32
      %mul3A_83 = arith.muli %mul3A_82, %scan3A_80 : i32
      %add3A_84 = arith.constant 0 : i32
      %add3A_85 = arith.addi %mul3A_83, %add3A_84 : i32
      %dma_wait3A_86 = arith.constant 0 : i32
      %dma_wait3A_87 = arith.constant 0 : i32
      %dma_wait3A_88 = arith.constant 0 : i32
      %dma_wait3A_89 = arith.constant 0 : i32
      %dma_wait3A_90 = tpu.memref_slice %arg8[%dma_wait3A_86, %dma_wait3A_88, %dma_wait3A_89] : memref<2x256x64xf32, #tpu.memory_space<vmem>> -> memref<1x256x64xf32, #tpu.memory_space<vmem>>
      %dma_wait3A_91 = tpu.memref_squeeze %dma_wait3A_90 : memref<1x256x64xf32, #tpu.memory_space<vmem>> -> memref<256x64xf32, #tpu.memory_space<vmem>>
      %dma_wait3A_92 = arith.constant 0 : i32
      %dma_wait3A_93 = tpu.memref_slice %arg6[%add3A_85, %dma_wait3A_92] : memref<79x256xi32, #tpu.memory_space<vmem>> -> memref<1x256xi32, #tpu.memory_space<vmem>>
      %dma_wait3A_94 = tpu.memref_squeeze %dma_wait3A_93 : memref<1x256xi32, #tpu.memory_space<vmem>> -> memref<256xi32, #tpu.memory_space<vmem>>
      %dma_wait3A_95 = arith.constant 0 : i32
      %dma_wait3A_96 = arith.constant 0 : i32
      %dma_wait3A_97 = tpu.memref_slice %arg2[%dma_wait3A_95, %dma_wait3A_96] : memref<20000x64xf32, #tpu.memory_space<hbm>> -> memref<20000x64xf32, #tpu.memory_space<hbm>>
      %dma_wait3A_98 = tpu.memref_slice %arg11[%dma_wait3A_87] : memref<2x!tpu.dma_semaphore, #tpu.memory_space<semaphore_mem>> -> memref<1x!tpu.dma_semaphore, #tpu.memory_space<semaphore_mem>>
      %dma_wait3A_99 = tpu.memref_squeeze %dma_wait3A_98 : memref<1x!tpu.dma_semaphore, #tpu.memory_space<semaphore_mem>> -> memref<!tpu.dma_semaphore, #tpu.memory_space<semaphore_mem>>
      tpu.wait_indirect_dma semaphore(%dma_wait3A_99 : memref<!tpu.dma_semaphore, #tpu.memory_space<semaphore_mem>>) src(%dma_wait3A_97 : memref<20000x64xf32, #tpu.memory_space<hbm>>) dst(%dma_wait3A_91 : memref<256x64xf32, #tpu.memory_space<vmem>>)
      %run_scoped3A_100 = arith.constant 0 : i32
      "tpu.region"() ({
        %run_scoped3A_132 = tpu.sem_alloc : memref<!tpu.dma_semaphore, #tpu.memory_space<semaphore_mem>>
        %dma_start3A_133 = arith.constant 0 : i32
        %dma_start3A_134 = arith.constant 0 : i32
        %dma_start3A_135 = tpu.memref_slice %arg8[%run_scoped3A_100, %dma_start3A_133, %dma_start3A_134] : memref<2x256x64xf32, #tpu.memory_space<vmem>> -> memref<1x256x64xf32, #tpu.memory_space<vmem>>
        %dma_start3A_136 = tpu.memref_squeeze %dma_start3A_135 : memref<1x256x64xf32, #tpu.memory_space<vmem>> -> memref<256x64xf32, #tpu.memory_space<vmem>>
        %dma_start3A_137 = arith.constant 0 : i32
        %dma_start3A_138 = tpu.memref_slice %arg7[%add3A_85, %dma_start3A_137] : memref<79x256xi32, #tpu.memory_space<vmem>> -> memref<1x256xi32, #tpu.memory_space<vmem>>
        %dma_start3A_139 = tpu.memref_squeeze %dma_start3A_138 : memref<1x256xi32, #tpu.memory_space<vmem>> -> memref<256xi32, #tpu.memory_space<vmem>>
        %dma_start3A_140 = arith.constant 0 : i32
        %dma_start3A_141 = arith.constant 0 : i32
        %dma_start3A_142 = tpu.memref_slice %arg10[%dma_start3A_140, %dma_start3A_141] : memref<10240x64xf32, #tpu.memory_space<vmem_shared>> -> memref<10240x64xf32, #tpu.memory_space<vmem_shared>>
        tpu.enqueue_indirect_dma source(%dma_start3A_136 : memref<256x64xf32, #tpu.memory_space<vmem>>) target(%dma_start3A_142 : memref<10240x64xf32, #tpu.memory_space<vmem_shared>>) offsets(%dma_start3A_139 : memref<256xi32, #tpu.memory_space<vmem>>) semaphore(%run_scoped3A_132 : memref<!tpu.dma_semaphore, #tpu.memory_space<semaphore_mem>>) {add = true}
        %dma_wait3A_143 = arith.constant 0 : i32
        %dma_wait3A_144 = arith.constant 0 : i32
        %dma_wait3A_145 = tpu.memref_slice %arg8[%run_scoped3A_100, %dma_wait3A_143, %dma_wait3A_144] : memref<2x256x64xf32, #tpu.memory_space<vmem>> -> memref<1x256x64xf32, #tpu.memory_space<vmem>>
        %dma_wait3A_146 = tpu.memref_squeeze %dma_wait3A_145 : memref<1x256x64xf32, #tpu.memory_space<vmem>> -> memref<256x64xf32, #tpu.memory_space<vmem>>
        %dma_wait3A_147 = arith.constant 0 : i32
        %dma_wait3A_148 = tpu.memref_slice %arg7[%add3A_85, %dma_wait3A_147] : memref<79x256xi32, #tpu.memory_space<vmem>> -> memref<1x256xi32, #tpu.memory_space<vmem>>
        %dma_wait3A_149 = tpu.memref_squeeze %dma_wait3A_148 : memref<1x256xi32, #tpu.memory_space<vmem>> -> memref<256xi32, #tpu.memory_space<vmem>>
        %dma_wait3A_150 = arith.constant 0 : i32
        %dma_wait3A_151 = arith.constant 0 : i32
        %dma_wait3A_152 = tpu.memref_slice %arg10[%dma_wait3A_150, %dma_wait3A_151] : memref<10240x64xf32, #tpu.memory_space<vmem_shared>> -> memref<10240x64xf32, #tpu.memory_space<vmem_shared>>
        tpu.wait_indirect_dma semaphore(%run_scoped3A_132 : memref<!tpu.dma_semaphore, #tpu.memory_space<semaphore_mem>>) src(%dma_wait3A_146 : memref<256x64xf32, #tpu.memory_space<vmem>>) dst(%dma_wait3A_152 : memref<10240x64xf32, #tpu.memory_space<vmem_shared>>)
        tpu.yield
      }) : () -> ()
      %add3A_101 = arith.constant 2 : i32
      %add3A_102 = arith.addi %add3A_85, %add3A_101 : i32
      %lt3A = arith.constant 79 : i32
      %lt3A_103 = arith.cmpi slt, %add3A_102, %lt3A : i32
      %convert_element_type3A = arith.extui %lt3A_103 : i1 to i32
      %cond3A = arith.constant 0 : i32
      %cond3A_104 = arith.cmpi ne, %convert_element_type3A, %cond3A : i32
      scf.if %cond3A_104 {
        %add3A_132 = arith.constant 2 : i32
        %add3A_133 = arith.addi %add3A_85, %add3A_132 : i32
        %dma_start3A_134 = arith.constant 0 : i32
        %dma_start3A_135 = arith.constant 0 : i32
        %dma_start3A_136 = arith.constant 0 : i32
        %dma_start3A_137 = arith.constant 0 : i32
        %dma_start3A_138 = tpu.memref_slice %arg8[%dma_start3A_134, %dma_start3A_136, %dma_start3A_137] : memref<2x256x64xf32, #tpu.memory_space<vmem>> -> memref<1x256x64xf32, #tpu.memory_space<vmem>>
        %dma_start3A_139 = tpu.memref_squeeze %dma_start3A_138 : memref<1x256x64xf32, #tpu.memory_space<vmem>> -> memref<256x64xf32, #tpu.memory_space<vmem>>
        %dma_start3A_140 = arith.constant 0 : i32
        %dma_start3A_141 = tpu.memref_slice %arg6[%add3A_133, %dma_start3A_140] : memref<79x256xi32, #tpu.memory_space<vmem>> -> memref<1x256xi32, #tpu.memory_space<vmem>>
        %dma_start3A_142 = tpu.memref_squeeze %dma_start3A_141 : memref<1x256xi32, #tpu.memory_space<vmem>> -> memref<256xi32, #tpu.memory_space<vmem>>
        %dma_start3A_143 = arith.constant 0 : i32
        %dma_start3A_144 = arith.constant 0 : i32
        %dma_start3A_145 = tpu.memref_slice %arg2[%dma_start3A_143, %dma_start3A_144] : memref<20000x64xf32, #tpu.memory_space<hbm>> -> memref<20000x64xf32, #tpu.memory_space<hbm>>
        %dma_start3A_146 = tpu.memref_slice %arg11[%dma_start3A_135] : memref<2x!tpu.dma_semaphore, #tpu.memory_space<semaphore_mem>> -> memref<1x!tpu.dma_semaphore, #tpu.memory_space<semaphore_mem>>
        %dma_start3A_147 = tpu.memref_squeeze %dma_start3A_146 : memref<1x!tpu.dma_semaphore, #tpu.memory_space<semaphore_mem>> -> memref<!tpu.dma_semaphore, #tpu.memory_space<semaphore_mem>>
        tpu.enqueue_indirect_dma source(%dma_start3A_145 : memref<20000x64xf32, #tpu.memory_space<hbm>>) target(%dma_start3A_139 : memref<256x64xf32, #tpu.memory_space<vmem>>) offsets(%dma_start3A_142 : memref<256xi32, #tpu.memory_space<vmem>>) semaphore(%dma_start3A_147 : memref<!tpu.dma_semaphore, #tpu.memory_space<semaphore_mem>>)
      } else {
      }
      %mul3A_105 = arith.constant 2 : i32
      %mul3A_106 = arith.muli %mul3A_105, %scan3A_80 : i32
      %add3A_107 = arith.constant 1 : i32
      %add3A_108 = arith.addi %mul3A_106, %add3A_107 : i32
      %dma_wait3A_109 = arith.constant 1 : i32
      %dma_wait3A_110 = arith.constant 1 : i32
      %dma_wait3A_111 = arith.constant 0 : i32
      %dma_wait3A_112 = arith.constant 0 : i32
      %dma_wait3A_113 = tpu.memref_slice %arg8[%dma_wait3A_109, %dma_wait3A_111, %dma_wait3A_112] : memref<2x256x64xf32, #tpu.memory_space<vmem>> -> memref<1x256x64xf32, #tpu.memory_space<vmem>>
      %dma_wait3A_114 = tpu.memref_squeeze %dma_wait3A_113 : memref<1x256x64xf32, #tpu.memory_space<vmem>> -> memref<256x64xf32, #tpu.memory_space<vmem>>
      %dma_wait3A_115 = arith.constant 0 : i32
      %dma_wait3A_116 = tpu.memref_slice %arg6[%add3A_108, %dma_wait3A_115] : memref<79x256xi32, #tpu.memory_space<vmem>> -> memref<1x256xi32, #tpu.memory_space<vmem>>
      %dma_wait3A_117 = tpu.memref_squeeze %dma_wait3A_116 : memref<1x256xi32, #tpu.memory_space<vmem>> -> memref<256xi32, #tpu.memory_space<vmem>>
      %dma_wait3A_118 = arith.constant 0 : i32
      %dma_wait3A_119 = arith.constant 0 : i32
      %dma_wait3A_120 = tpu.memref_slice %arg2[%dma_wait3A_118, %dma_wait3A_119] : memref<20000x64xf32, #tpu.memory_space<hbm>> -> memref<20000x64xf32, #tpu.memory_space<hbm>>
      %dma_wait3A_121 = tpu.memref_slice %arg11[%dma_wait3A_110] : memref<2x!tpu.dma_semaphore, #tpu.memory_space<semaphore_mem>> -> memref<1x!tpu.dma_semaphore, #tpu.memory_space<semaphore_mem>>
      %dma_wait3A_122 = tpu.memref_squeeze %dma_wait3A_121 : memref<1x!tpu.dma_semaphore, #tpu.memory_space<semaphore_mem>> -> memref<!tpu.dma_semaphore, #tpu.memory_space<semaphore_mem>>
      tpu.wait_indirect_dma semaphore(%dma_wait3A_122 : memref<!tpu.dma_semaphore, #tpu.memory_space<semaphore_mem>>) src(%dma_wait3A_120 : memref<20000x64xf32, #tpu.memory_space<hbm>>) dst(%dma_wait3A_114 : memref<256x64xf32, #tpu.memory_space<vmem>>)
      %run_scoped3A_123 = arith.constant 1 : i32
      "tpu.region"() ({
        %run_scoped3A_132 = tpu.sem_alloc : memref<!tpu.dma_semaphore, #tpu.memory_space<semaphore_mem>>
        %dma_start3A_133 = arith.constant 0 : i32
        %dma_start3A_134 = arith.constant 0 : i32
        %dma_start3A_135 = tpu.memref_slice %arg8[%run_scoped3A_123, %dma_start3A_133, %dma_start3A_134] : memref<2x256x64xf32, #tpu.memory_space<vmem>> -> memref<1x256x64xf32, #tpu.memory_space<vmem>>
        %dma_start3A_136 = tpu.memref_squeeze %dma_start3A_135 : memref<1x256x64xf32, #tpu.memory_space<vmem>> -> memref<256x64xf32, #tpu.memory_space<vmem>>
        %dma_start3A_137 = arith.constant 0 : i32
        %dma_start3A_138 = tpu.memref_slice %arg7[%add3A_108, %dma_start3A_137] : memref<79x256xi32, #tpu.memory_space<vmem>> -> memref<1x256xi32, #tpu.memory_space<vmem>>
        %dma_start3A_139 = tpu.memref_squeeze %dma_start3A_138 : memref<1x256xi32, #tpu.memory_space<vmem>> -> memref<256xi32, #tpu.memory_space<vmem>>
        %dma_start3A_140 = arith.constant 0 : i32
        %dma_start3A_141 = arith.constant 0 : i32
        %dma_start3A_142 = tpu.memref_slice %arg10[%dma_start3A_140, %dma_start3A_141] : memref<10240x64xf32, #tpu.memory_space<vmem_shared>> -> memref<10240x64xf32, #tpu.memory_space<vmem_shared>>
        tpu.enqueue_indirect_dma source(%dma_start3A_136 : memref<256x64xf32, #tpu.memory_space<vmem>>) target(%dma_start3A_142 : memref<10240x64xf32, #tpu.memory_space<vmem_shared>>) offsets(%dma_start3A_139 : memref<256xi32, #tpu.memory_space<vmem>>) semaphore(%run_scoped3A_132 : memref<!tpu.dma_semaphore, #tpu.memory_space<semaphore_mem>>) {add = true}
        %dma_wait3A_143 = arith.constant 0 : i32
        %dma_wait3A_144 = arith.constant 0 : i32
        %dma_wait3A_145 = tpu.memref_slice %arg8[%run_scoped3A_123, %dma_wait3A_143, %dma_wait3A_144] : memref<2x256x64xf32, #tpu.memory_space<vmem>> -> memref<1x256x64xf32, #tpu.memory_space<vmem>>
        %dma_wait3A_146 = tpu.memref_squeeze %dma_wait3A_145 : memref<1x256x64xf32, #tpu.memory_space<vmem>> -> memref<256x64xf32, #tpu.memory_space<vmem>>
        %dma_wait3A_147 = arith.constant 0 : i32
        %dma_wait3A_148 = tpu.memref_slice %arg7[%add3A_108, %dma_wait3A_147] : memref<79x256xi32, #tpu.memory_space<vmem>> -> memref<1x256xi32, #tpu.memory_space<vmem>>
        %dma_wait3A_149 = tpu.memref_squeeze %dma_wait3A_148 : memref<1x256xi32, #tpu.memory_space<vmem>> -> memref<256xi32, #tpu.memory_space<vmem>>
        %dma_wait3A_150 = arith.constant 0 : i32
        %dma_wait3A_151 = arith.constant 0 : i32
        %dma_wait3A_152 = tpu.memref_slice %arg10[%dma_wait3A_150, %dma_wait3A_151] : memref<10240x64xf32, #tpu.memory_space<vmem_shared>> -> memref<10240x64xf32, #tpu.memory_space<vmem_shared>>
        tpu.wait_indirect_dma semaphore(%run_scoped3A_132 : memref<!tpu.dma_semaphore, #tpu.memory_space<semaphore_mem>>) src(%dma_wait3A_146 : memref<256x64xf32, #tpu.memory_space<vmem>>) dst(%dma_wait3A_152 : memref<10240x64xf32, #tpu.memory_space<vmem_shared>>)
        tpu.yield
      }) : () -> ()
      %add3A_124 = arith.constant 2 : i32
      %add3A_125 = arith.addi %add3A_108, %add3A_124 : i32
      %lt3A_126 = arith.constant 79 : i32
      %lt3A_127 = arith.cmpi slt, %add3A_125, %lt3A_126 : i32
      %convert_element_type3A_128 = arith.extui %lt3A_127 : i1 to i32
      %cond3A_129 = arith.constant 0 : i32
      %cond3A_130 = arith.cmpi ne, %convert_element_type3A_128, %cond3A_129 : i32
      scf.if %cond3A_130 {
        %add3A_132 = arith.constant 2 : i32
        %add3A_133 = arith.addi %add3A_108, %add3A_132 : i32
        %dma_start3A_134 = arith.constant 1 : i32
        %dma_start3A_135 = arith.constant 1 : i32
        %dma_start3A_136 = arith.constant 0 : i32
        %dma_start3A_137 = arith.constant 0 : i32
        %dma_start3A_138 = tpu.memref_slice %arg8[%dma_start3A_134, %dma_start3A_136, %dma_start3A_137] : memref<2x256x64xf32, #tpu.memory_space<vmem>> -> memref<1x256x64xf32, #tpu.memory_space<vmem>>
        %dma_start3A_139 = tpu.memref_squeeze %dma_start3A_138 : memref<1x256x64xf32, #tpu.memory_space<vmem>> -> memref<256x64xf32, #tpu.memory_space<vmem>>
        %dma_start3A_140 = arith.constant 0 : i32
        %dma_start3A_141 = tpu.memref_slice %arg6[%add3A_133, %dma_start3A_140] : memref<79x256xi32, #tpu.memory_space<vmem>> -> memref<1x256xi32, #tpu.memory_space<vmem>>
        %dma_start3A_142 = tpu.memref_squeeze %dma_start3A_141 : memref<1x256xi32, #tpu.memory_space<vmem>> -> memref<256xi32, #tpu.memory_space<vmem>>
        %dma_start3A_143 = arith.constant 0 : i32
        %dma_start3A_144 = arith.constant 0 : i32
        %dma_start3A_145 = tpu.memref_slice %arg2[%dma_start3A_143, %dma_start3A_144] : memref<20000x64xf32, #tpu.memory_space<hbm>> -> memref<20000x64xf32, #tpu.memory_space<hbm>>
        %dma_start3A_146 = tpu.memref_slice %arg11[%dma_start3A_135] : memref<2x!tpu.dma_semaphore, #tpu.memory_space<semaphore_mem>> -> memref<1x!tpu.dma_semaphore, #tpu.memory_space<semaphore_mem>>
        %dma_start3A_147 = tpu.memref_squeeze %dma_start3A_146 : memref<1x!tpu.dma_semaphore, #tpu.memory_space<semaphore_mem>> -> memref<!tpu.dma_semaphore, #tpu.memory_space<semaphore_mem>>
        tpu.enqueue_indirect_dma source(%dma_start3A_145 : memref<20000x64xf32, #tpu.memory_space<hbm>>) target(%dma_start3A_139 : memref<256x64xf32, #tpu.memory_space<vmem>>) offsets(%dma_start3A_142 : memref<256xi32, #tpu.memory_space<vmem>>) semaphore(%dma_start3A_147 : memref<!tpu.dma_semaphore, #tpu.memory_space<semaphore_mem>>)
      } else {
      }
      %scan3A_131 = arith.constant 0 : i32
      scf.yield %scan3A_131 : i32
    }
    %scan3A_59 = arith.constant 39 : i32
    %dma_wait3A = arith.constant 78 : i32
    %dma_wait3A_60 = arith.constant 0 : i32
    %dma_wait3A_61 = arith.constant 0 : i32
    %dma_wait3A_62 = arith.constant 0 : i32
    %dma_wait3A_63 = arith.constant 0 : i32
    %dma_wait3A_64 = tpu.memref_slice %arg8[%dma_wait3A_60, %dma_wait3A_62, %dma_wait3A_63] : memref<2x256x64xf32, #tpu.memory_space<vmem>> -> memref<1x256x64xf32, #tpu.memory_space<vmem>>
    %dma_wait3A_65 = tpu.memref_squeeze %dma_wait3A_64 : memref<1x256x64xf32, #tpu.memory_space<vmem>> -> memref<256x64xf32, #tpu.memory_space<vmem>>
    %dma_wait3A_66 = arith.constant 0 : i32
    %dma_wait3A_67 = tpu.memref_slice %arg6[%dma_wait3A, %dma_wait3A_66] : memref<79x256xi32, #tpu.memory_space<vmem>> -> memref<1x256xi32, #tpu.memory_space<vmem>>
    %dma_wait3A_68 = tpu.memref_squeeze %dma_wait3A_67 : memref<1x256xi32, #tpu.memory_space<vmem>> -> memref<256xi32, #tpu.memory_space<vmem>>
    %dma_wait3A_69 = arith.constant 0 : i32
    %dma_wait3A_70 = arith.constant 0 : i32
    %dma_wait3A_71 = tpu.memref_slice %arg2[%dma_wait3A_69, %dma_wait3A_70] : memref<20000x64xf32, #tpu.memory_space<hbm>> -> memref<20000x64xf32, #tpu.memory_space<hbm>>
    %dma_wait3A_72 = tpu.memref_slice %arg11[%dma_wait3A_61] : memref<2x!tpu.dma_semaphore, #tpu.memory_space<semaphore_mem>> -> memref<1x!tpu.dma_semaphore, #tpu.memory_space<semaphore_mem>>
    %dma_wait3A_73 = tpu.memref_squeeze %dma_wait3A_72 : memref<1x!tpu.dma_semaphore, #tpu.memory_space<semaphore_mem>> -> memref<!tpu.dma_semaphore, #tpu.memory_space<semaphore_mem>>
    tpu.wait_indirect_dma semaphore(%dma_wait3A_73 : memref<!tpu.dma_semaphore, #tpu.memory_space<semaphore_mem>>) src(%dma_wait3A_71 : memref<20000x64xf32, #tpu.memory_space<hbm>>) dst(%dma_wait3A_65 : memref<256x64xf32, #tpu.memory_space<vmem>>)
    %run_scoped3A = arith.constant 0 : i32
    %run_scoped3A_74 = arith.constant 78 : i32
    "tpu.region"() ({
      %run_scoped3A_80 = tpu.sem_alloc : memref<!tpu.dma_semaphore, #tpu.memory_space<semaphore_mem>>
      %dma_start3A_81 = arith.constant 0 : i32
      %dma_start3A_82 = arith.constant 0 : i32
      %dma_start3A_83 = tpu.memref_slice %arg8[%run_scoped3A, %dma_start3A_81, %dma_start3A_82] : memref<2x256x64xf32, #tpu.memory_space<vmem>> -> memref<1x256x64xf32, #tpu.memory_space<vmem>>
      %dma_start3A_84 = tpu.memref_squeeze %dma_start3A_83 : memref<1x256x64xf32, #tpu.memory_space<vmem>> -> memref<256x64xf32, #tpu.memory_space<vmem>>
      %dma_start3A_85 = arith.constant 0 : i32
      %dma_start3A_86 = tpu.memref_slice %arg7[%run_scoped3A_74, %dma_start3A_85] : memref<79x256xi32, #tpu.memory_space<vmem>> -> memref<1x256xi32, #tpu.memory_space<vmem>>
      %dma_start3A_87 = tpu.memref_squeeze %dma_start3A_86 : memref<1x256xi32, #tpu.memory_space<vmem>> -> memref<256xi32, #tpu.memory_space<vmem>>
      %dma_start3A_88 = arith.constant 0 : i32
      %dma_start3A_89 = arith.constant 0 : i32
      %dma_start3A_90 = tpu.memref_slice %arg10[%dma_start3A_88, %dma_start3A_89] : memref<10240x64xf32, #tpu.memory_space<vmem_shared>> -> memref<10240x64xf32, #tpu.memory_space<vmem_shared>>
      tpu.enqueue_indirect_dma source(%dma_start3A_84 : memref<256x64xf32, #tpu.memory_space<vmem>>) target(%dma_start3A_90 : memref<10240x64xf32, #tpu.memory_space<vmem_shared>>) offsets(%dma_start3A_87 : memref<256xi32, #tpu.memory_space<vmem>>) semaphore(%run_scoped3A_80 : memref<!tpu.dma_semaphore, #tpu.memory_space<semaphore_mem>>) {add = true}
      %dma_wait3A_91 = arith.constant 0 : i32
      %dma_wait3A_92 = arith.constant 0 : i32
      %dma_wait3A_93 = tpu.memref_slice %arg8[%run_scoped3A, %dma_wait3A_91, %dma_wait3A_92] : memref<2x256x64xf32, #tpu.memory_space<vmem>> -> memref<1x256x64xf32, #tpu.memory_space<vmem>>
      %dma_wait3A_94 = tpu.memref_squeeze %dma_wait3A_93 : memref<1x256x64xf32, #tpu.memory_space<vmem>> -> memref<256x64xf32, #tpu.memory_space<vmem>>
      %dma_wait3A_95 = arith.constant 0 : i32
      %dma_wait3A_96 = tpu.memref_slice %arg7[%run_scoped3A_74, %dma_wait3A_95] : memref<79x256xi32, #tpu.memory_space<vmem>> -> memref<1x256xi32, #tpu.memory_space<vmem>>
      %dma_wait3A_97 = tpu.memref_squeeze %dma_wait3A_96 : memref<1x256xi32, #tpu.memory_space<vmem>> -> memref<256xi32, #tpu.memory_space<vmem>>
      %dma_wait3A_98 = arith.constant 0 : i32
      %dma_wait3A_99 = arith.constant 0 : i32
      %dma_wait3A_100 = tpu.memref_slice %arg10[%dma_wait3A_98, %dma_wait3A_99] : memref<10240x64xf32, #tpu.memory_space<vmem_shared>> -> memref<10240x64xf32, #tpu.memory_space<vmem_shared>>
      tpu.wait_indirect_dma semaphore(%run_scoped3A_80 : memref<!tpu.dma_semaphore, #tpu.memory_space<semaphore_mem>>) src(%dma_wait3A_94 : memref<256x64xf32, #tpu.memory_space<vmem>>) dst(%dma_wait3A_100 : memref<10240x64xf32, #tpu.memory_space<vmem_shared>>)
      tpu.yield
    }) : () -> ()
    %barrier3A_75 = arith.constant 0 : index
    tpu.barrier barrier_id(%barrier3A_75)
    %mul3A_76 = arith.constant 640 : i32
    %mul3A_77 = arith.muli %arg1, %mul3A_76 : i32
    %mul3A_78 = arith.constant 640 : i32
    %mul3A_79 = arith.muli %arg1, %mul3A_78 : i32
    "tpu.region"() ({
      %run_scoped3A_80 = tpu.sem_alloc : memref<!tpu.dma_semaphore, #tpu.memory_space<semaphore_mem>>
      %dma_start3A_81 = arith.constant 0 : i32
      %dma_start3A_82 = tpu.memref_slice %arg5[%arg0, %mul3A_79, %dma_start3A_81] : memref<2x10240x64xf32, #tpu.memory_space<hbm>> -> memref<1x640x64xf32, #tpu.memory_space<hbm>>
      %dma_start3A_83 = tpu.memref_squeeze %dma_start3A_82 : memref<1x640x64xf32, #tpu.memory_space<hbm>> -> memref<640x64xf32, #tpu.memory_space<hbm>>
      %dma_start3A_84 = arith.constant 0 : i32
      %dma_start3A_85 = tpu.memref_slice %arg10[%mul3A_77, %dma_start3A_84] : memref<10240x64xf32, #tpu.memory_space<vmem_shared>> -> memref<640x64xf32, #tpu.memory_space<vmem_shared>>
      tpu.enqueue_dma source(%dma_start3A_85 : memref<640x64xf32, #tpu.memory_space<vmem_shared>>) target(%dma_start3A_83 : memref<640x64xf32, #tpu.memory_space<hbm>>) target_semaphore(%run_scoped3A_80 : memref<!tpu.dma_semaphore, #tpu.memory_space<semaphore_mem>>)
      %dma_wait3A_86 = arith.constant 0 : i32
      %dma_wait3A_87 = tpu.memref_slice %arg5[%arg0, %mul3A_79, %dma_wait3A_86] : memref<2x10240x64xf32, #tpu.memory_space<hbm>> -> memref<1x640x64xf32, #tpu.memory_space<hbm>>
      %dma_wait3A_88 = tpu.memref_squeeze %dma_wait3A_87 : memref<1x640x64xf32, #tpu.memory_space<hbm>> -> memref<640x64xf32, #tpu.memory_space<hbm>>
      %dma_wait3A_89 = arith.constant 0 : i32
      %dma_wait3A_90 = tpu.memref_slice %arg10[%mul3A_77, %dma_wait3A_89] : memref<10240x64xf32, #tpu.memory_space<vmem_shared>> -> memref<640x64xf32, #tpu.memory_space<vmem_shared>>
      tpu.wait_dma2 semaphore(%run_scoped3A_80 : memref<!tpu.dma_semaphore, #tpu.memory_space<semaphore_mem>>) src(%dma_wait3A_90 : memref<640x64xf32, #tpu.memory_space<vmem_shared>>) dst(%dma_wait3A_88 : memref<640x64xf32, #tpu.memory_space<hbm>>)
      tpu.yield
    }) : () -> ()
    return
  }
}

module attributes {stable_mosaic.version = 14 : i64} {
  func.func @_tc1_body(%arg0: i32, %arg1: memref<2000x2xf32, #tpu.memory_space<vmem>>, %arg2: memref<2000x128xf32, #tpu.memory_space<vmem>>, %arg3: memref<128x128xf32, #tpu.memory_space<vmem>>, %arg4: memref<2x2000x64xf32, #tpu.memory_space<vmem>>) attributes {dimension_semantics = [#tpu.dimension_semantics<arbitrary>], iteration_bounds = array<i64: 5>, scalar_prefetch = 0 : i64, scratch_operands = 0 : i64, tpu.core_type = #tpu.core_type<tc>, window_params = [{transform_indices = @transform_0, window_bounds = array<i64: 2000, 2>}, {transform_indices = @transform_1, window_bounds = array<i64: 2000, 128>}, {pipeline_mode = #tpu.pipeline_mode<synchronous>, transform_indices = @transform_2, window_bounds = array<i64: 128, 128>}, {transform_indices = @transform_3, window_bounds = array<i64: 2, 2000, 64>}]} {
    %get3A = arith.constant 0 : index
    %get3A_0 = arith.constant 0 : index
    %get3A_1 = vector.load %arg1[%get3A, %get3A_0] : memref<2000x2xf32, #tpu.memory_space<vmem>>, vector<2000x1xf32>
    %get3A_2 = arith.constant 0 : index
    %get3A_3 = arith.constant 1 : index
    %get3A_4 = vector.load %arg1[%get3A_2, %get3A_3] : memref<2000x2xf32, #tpu.memory_space<vmem>>, vector<2000x1xf32>
    %add3A = arith.addf %get3A_1, %get3A_4 : vector<2000x1xf32>
    %add3A_5 = arith.constant 1.000000e+00 : f32
    %add3A_6 = vector.broadcast %add3A_5 : f32 to vector<2000x1xf32>
    %add3A_7 = arith.addf %add3A, %add3A_6 : vector<2000x1xf32>
    %rsqrt3A = math.rsqrt %add3A_7 : vector<2000x1xf32>
    %get3A_8 = arith.constant 0 : index
    %get3A_9 = arith.constant 0 : index
    %get3A_10 = vector.load %arg2[%get3A_8, %get3A_9] : memref<2000x128xf32, #tpu.memory_space<vmem>>, vector<2000x128xf32>
    %get3A_11 = arith.constant 0 : index
    %get3A_12 = arith.constant 0 : index
    %get3A_13 = vector.load %arg3[%get3A_11, %get3A_12] : memref<128x128xf32, #tpu.memory_space<vmem>>, vector<128x128xf32>
    %dot_general3A = arith.constant dense<0.000000e+00> : vector<2000x128xf32>
    %dot_general3A_14 = tpu.matmul %get3A_10, %get3A_13, %dot_general3A {dimension_numbers = #tpu.dot_dimension_numbers<[1], [0], [0], [1], [0, 0, 1, 1], [], []>, transpose_lhs_hint = false} : vector<2000x128xf32>, vector<128x128xf32>, vector<2000x128xf32> -> vector<2000x128xf32>
    %slice3A = vector.extract_strided_slice %dot_general3A_14 {offsets = [0, 0], sizes = [2000, 64], strides = [1, 1]} : vector<2000x128xf32> to vector<2000x64xf32>
    %mul3A = vector.broadcast %rsqrt3A : vector<2000x1xf32> to vector<2000x64xf32>
    %mul3A_15 = arith.mulf %slice3A, %mul3A : vector<2000x64xf32>
    %swap3A = arith.constant 0 : index
    %swap3A_16 = arith.constant 0 : index
    %swap3A_17 = arith.constant 0 : index
    %swap3A_18 = vector.load %arg4[%swap3A, %swap3A_16, %swap3A_17] : memref<2x2000x64xf32, #tpu.memory_space<vmem>>, vector<1x2000x64xf32>
    %swap3A_19 = vector.shape_cast %swap3A_18 : vector<1x2000x64xf32> to vector<2000x64xf32>
    %swap3A_20 = vector.shape_cast %mul3A_15 : vector<2000x64xf32> to vector<1x2000x64xf32>
    tpu.vector_store %arg4[%swap3A, %swap3A_16, %swap3A_17], %swap3A_20 {strides = array<i32>} : memref<2x2000x64xf32, #tpu.memory_space<vmem>>, vector<1x2000x64xf32>,
    %slice3A_21 = vector.extract_strided_slice %dot_general3A_14 {offsets = [0, 64], sizes = [2000, 64], strides = [1, 1]} : vector<2000x128xf32> to vector<2000x64xf32>
    %mul3A_22 = vector.broadcast %rsqrt3A : vector<2000x1xf32> to vector<2000x64xf32>
    %mul3A_23 = arith.mulf %slice3A_21, %mul3A_22 : vector<2000x64xf32>
    %swap3A_24 = arith.constant 1 : index
    %swap3A_25 = arith.constant 0 : index
    %swap3A_26 = arith.constant 0 : index
    %swap3A_27 = vector.load %arg4[%swap3A_24, %swap3A_25, %swap3A_26] : memref<2x2000x64xf32, #tpu.memory_space<vmem>>, vector<1x2000x64xf32>
    %swap3A_28 = vector.shape_cast %swap3A_27 : vector<1x2000x64xf32> to vector<2000x64xf32>
    %swap3A_29 = vector.shape_cast %mul3A_23 : vector<2000x64xf32> to vector<1x2000x64xf32>
    tpu.vector_store %arg4[%swap3A_24, %swap3A_25, %swap3A_26], %swap3A_29 {strides = array<i32>} : memref<2x2000x64xf32, #tpu.memory_space<vmem>>, vector<1x2000x64xf32>,
    return
  }
  func.func @transform_0(%arg0: i32) -> (i32, i32) {
    %c0_i32 = arith.constant 0 : i32
    %c0_i32_0 = arith.constant 0 : i32
    return %arg0, %c0_i32 : i32, i32
  }
  func.func @transform_1(%arg0: i32) -> (i32, i32) {
    %c0_i32 = arith.constant 0 : i32
    %c0_i32_0 = arith.constant 0 : i32
    return %arg0, %c0_i32 : i32, i32
  }
  func.func @transform_2(%arg0: i32) -> (i32, i32) {
    %c0_i32 = arith.constant 0 : i32
    %c0_i32_0 = arith.constant 0 : i32
    %c0_i32_1 = arith.constant 0 : i32
    return %c0_i32, %c0_i32_0 : i32, i32
  }
  func.func @transform_3(%arg0: i32) -> (i32, i32, i32) {
    %c0_i32 = arith.constant 0 : i32
    %c0_i32_0 = arith.constant 0 : i32
    %c0_i32_1 = arith.constant 0 : i32
    return %c0_i32, %arg0, %c0_i32_0 : i32, i32, i32
  }
}

module attributes {stable_mosaic.version = 14 : i64} {
  func.func @_tc2_body(%arg0: i32, %arg1: memref<2000x2xf32, #tpu.memory_space<vmem>>, %arg2: memref<2x2000x64xf32, #tpu.memory_space<vmem>>, %arg3: memref<2x2000x64xf32, #tpu.memory_space<vmem>>, %arg4: memref<1x128xf32, #tpu.memory_space<vmem>>, %arg5: memref<128x128xf32, #tpu.memory_space<vmem>>, %arg6: memref<2x2000x64xf32, #tpu.memory_space<vmem>>) attributes {dimension_semantics = [#tpu.dimension_semantics<arbitrary>], iteration_bounds = array<i64: 5>, scalar_prefetch = 0 : i64, scratch_operands = 0 : i64, tpu.core_type = #tpu.core_type<tc>, window_params = [{transform_indices = @transform_0, window_bounds = array<i64: 2000, 2>}, {transform_indices = @transform_1, window_bounds = array<i64: 2, 2000, 64>}, {transform_indices = @transform_2, window_bounds = array<i64: 2, 2000, 64>}, {pipeline_mode = #tpu.pipeline_mode<synchronous>, transform_indices = @transform_3, window_bounds = array<i64: 1, 128>}, {pipeline_mode = #tpu.pipeline_mode<synchronous>, transform_indices = @transform_4, window_bounds = array<i64: 128, 128>}, {transform_indices = @transform_5, window_bounds = array<i64: 2, 2000, 64>}]} {
    %get3A = arith.constant 0 : index
    %get3A_0 = arith.constant 0 : index
    %get3A_1 = vector.load %arg1[%get3A, %get3A_0] : memref<2000x2xf32, #tpu.memory_space<vmem>>, vector<2000x1xf32>
    %get3A_2 = arith.constant 0 : index
    %get3A_3 = arith.constant 1 : index
    %get3A_4 = vector.load %arg1[%get3A_2, %get3A_3] : memref<2000x2xf32, #tpu.memory_space<vmem>>, vector<2000x1xf32>
    %add3A = arith.addf %get3A_1, %get3A_4 : vector<2000x1xf32>
    %add3A_5 = arith.constant 1.000000e+00 : f32
    %add3A_6 = vector.broadcast %add3A_5 : f32 to vector<2000x1xf32>
    %add3A_7 = arith.addf %add3A, %add3A_6 : vector<2000x1xf32>
    %rsqrt3A = math.rsqrt %add3A_7 : vector<2000x1xf32>
    %get3A_8 = arith.constant 0 : index
    %get3A_9 = arith.constant 0 : index
    %get3A_10 = arith.constant 0 : index
    %get3A_11 = vector.load %arg2[%get3A_8, %get3A_9, %get3A_10] : memref<2x2000x64xf32, #tpu.memory_space<vmem>>, vector<1x2000x64xf32>
    %get3A_12 = vector.shape_cast %get3A_11 : vector<1x2000x64xf32> to vector<2000x64xf32>
    %get3A_13 = arith.constant 0 : index
    %get3A_14 = arith.constant 0 : index
    %get3A_15 = arith.constant 0 : index
    %get3A_16 = vector.load %arg3[%get3A_13, %get3A_14, %get3A_15] : memref<2x2000x64xf32, #tpu.memory_space<vmem>>, vector<1x2000x64xf32>
    %get3A_17 = vector.shape_cast %get3A_16 : vector<1x2000x64xf32> to vector<2000x64xf32>
    %add3A_18 = arith.addf %get3A_12, %get3A_17 : vector<2000x64xf32>
    %get3A_19 = arith.constant 1 : index
    %get3A_20 = arith.constant 0 : index
    %get3A_21 = arith.constant 0 : index
    %get3A_22 = vector.load %arg2[%get3A_19, %get3A_20, %get3A_21] : memref<2x2000x64xf32, #tpu.memory_space<vmem>>, vector<1x2000x64xf32>
    %get3A_23 = vector.shape_cast %get3A_22 : vector<1x2000x64xf32> to vector<2000x64xf32>
    %get3A_24 = arith.constant 1 : index
    %get3A_25 = arith.constant 0 : index
    %get3A_26 = arith.constant 0 : index
    %get3A_27 = vector.load %arg3[%get3A_24, %get3A_25, %get3A_26] : memref<2x2000x64xf32, #tpu.memory_space<vmem>>, vector<1x2000x64xf32>
    %get3A_28 = vector.shape_cast %get3A_27 : vector<1x2000x64xf32> to vector<2000x64xf32>
    %add3A_29 = arith.addf %get3A_23, %get3A_28 : vector<2000x64xf32>
    %concatenate3A = tpu.concatenate %add3A_18, %add3A_29 in 1 : vector<2000x64xf32>, vector<2000x64xf32> -> vector<2000x128xf32>
    %mul3A = vector.broadcast %rsqrt3A : vector<2000x1xf32> to vector<2000x128xf32>
    %mul3A_30 = arith.mulf %concatenate3A, %mul3A : vector<2000x128xf32>
    %get3A_31 = arith.constant 0 : index
    %get3A_32 = arith.constant 0 : index
    %get3A_33 = vector.load %arg4[%get3A_31, %get3A_32] : memref<1x128xf32, #tpu.memory_space<vmem>>, vector<1x128xf32>
    %add3A_34 = vector.broadcast %get3A_33 : vector<1x128xf32> to vector<2000x128xf32>
    %add3A_35 = arith.addf %mul3A_30, %add3A_34 : vector<2000x128xf32>
    %max3A = arith.constant 0.000000e+00 : f32
    %max3A_36 = vector.broadcast %max3A : f32 to vector<2000x128xf32>
    %max3A_37 = arith.maximumf %add3A_35, %max3A_36 : vector<2000x128xf32>
    %get3A_38 = arith.constant 0 : index
    %get3A_39 = arith.constant 0 : index
    %get3A_40 = vector.load %arg5[%get3A_38, %get3A_39] : memref<128x128xf32, #tpu.memory_space<vmem>>, vector<128x128xf32>
    %dot_general3A = arith.constant dense<0.000000e+00> : vector<2000x128xf32>
    %dot_general3A_41 = tpu.matmul %max3A_37, %get3A_40, %dot_general3A {dimension_numbers = #tpu.dot_dimension_numbers<[1], [0], [0], [1], [0, 0, 1, 1], [], []>, transpose_lhs_hint = false} : vector<2000x128xf32>, vector<128x128xf32>, vector<2000x128xf32> -> vector<2000x128xf32>
    %slice3A = vector.extract_strided_slice %dot_general3A_41 {offsets = [0, 0], sizes = [2000, 64], strides = [1, 1]} : vector<2000x128xf32> to vector<2000x64xf32>
    %mul3A_42 = vector.broadcast %rsqrt3A : vector<2000x1xf32> to vector<2000x64xf32>
    %mul3A_43 = arith.mulf %slice3A, %mul3A_42 : vector<2000x64xf32>
    %swap3A = arith.constant 0 : index
    %swap3A_44 = arith.constant 0 : index
    %swap3A_45 = arith.constant 0 : index
    %swap3A_46 = vector.load %arg6[%swap3A, %swap3A_44, %swap3A_45] : memref<2x2000x64xf32, #tpu.memory_space<vmem>>, vector<1x2000x64xf32>
    %swap3A_47 = vector.shape_cast %swap3A_46 : vector<1x2000x64xf32> to vector<2000x64xf32>
    %swap3A_48 = vector.shape_cast %mul3A_43 : vector<2000x64xf32> to vector<1x2000x64xf32>
    tpu.vector_store %arg6[%swap3A, %swap3A_44, %swap3A_45], %swap3A_48 {strides = array<i32>} : memref<2x2000x64xf32, #tpu.memory_space<vmem>>, vector<1x2000x64xf32>,
    %slice3A_49 = vector.extract_strided_slice %dot_general3A_41 {offsets = [0, 64], sizes = [2000, 64], strides = [1, 1]} : vector<2000x128xf32> to vector<2000x64xf32>
    %mul3A_50 = vector.broadcast %rsqrt3A : vector<2000x1xf32> to vector<2000x64xf32>
    %mul3A_51 = arith.mulf %slice3A_49, %mul3A_50 : vector<2000x64xf32>
    %swap3A_52 = arith.constant 1 : index
    %swap3A_53 = arith.constant 0 : index
    %swap3A_54 = arith.constant 0 : index
    %swap3A_55 = vector.load %arg6[%swap3A_52, %swap3A_53, %swap3A_54] : memref<2x2000x64xf32, #tpu.memory_space<vmem>>, vector<1x2000x64xf32>
    %swap3A_56 = vector.shape_cast %swap3A_55 : vector<1x2000x64xf32> to vector<2000x64xf32>
    %swap3A_57 = vector.shape_cast %mul3A_51 : vector<2000x64xf32> to vector<1x2000x64xf32>
    tpu.vector_store %arg6[%swap3A_52, %swap3A_53, %swap3A_54], %swap3A_57 {strides = array<i32>} : memref<2x2000x64xf32, #tpu.memory_space<vmem>>, vector<1x2000x64xf32>,
    return
  }
  func.func @transform_0(%arg0: i32) -> (i32, i32) {
    %c0_i32 = arith.constant 0 : i32
    %c0_i32_0 = arith.constant 0 : i32
    return %arg0, %c0_i32 : i32, i32
  }
  func.func @transform_1(%arg0: i32) -> (i32, i32, i32) {
    %c0_i32 = arith.constant 0 : i32
    %c0_i32_0 = arith.constant 0 : i32
    %c0_i32_1 = arith.constant 0 : i32
    return %c0_i32, %arg0, %c0_i32_0 : i32, i32, i32
  }
  func.func @transform_2(%arg0: i32) -> (i32, i32, i32) {
    %c0_i32 = arith.constant 0 : i32
    %c0_i32_0 = arith.constant 0 : i32
    %c0_i32_1 = arith.constant 0 : i32
    return %c0_i32, %arg0, %c0_i32_0 : i32, i32, i32
  }
  func.func @transform_3(%arg0: i32) -> (i32, i32) {
    %c0_i32 = arith.constant 0 : i32
    %c0_i32_0 = arith.constant 0 : i32
    %c0_i32_1 = arith.constant 0 : i32
    return %c0_i32, %c0_i32_0 : i32, i32
  }
  func.func @transform_4(%arg0: i32) -> (i32, i32) {
    %c0_i32 = arith.constant 0 : i32
    %c0_i32_0 = arith.constant 0 : i32
    %c0_i32_1 = arith.constant 0 : i32
    return %c0_i32, %c0_i32_0 : i32, i32
  }
  func.func @transform_5(%arg0: i32) -> (i32, i32, i32) {
    %c0_i32 = arith.constant 0 : i32
    %c0_i32_0 = arith.constant 0 : i32
    %c0_i32_1 = arith.constant 0 : i32
    return %c0_i32, %arg0, %c0_i32_0 : i32, i32, i32
  }
}

module attributes {stable_mosaic.version = 14 : i64} {
  func.func @_tc3_body(%arg0: i32, %arg1: memref<2000x2xf32, #tpu.memory_space<vmem>>, %arg2: memref<2x2000x64xf32, #tpu.memory_space<vmem>>, %arg3: memref<2x2000x64xf32, #tpu.memory_space<vmem>>, %arg4: memref<1x128xf32, #tpu.memory_space<vmem>>, %arg5: memref<2000x128xf32, #tpu.memory_space<vmem>>) attributes {dimension_semantics = [#tpu.dimension_semantics<arbitrary>], iteration_bounds = array<i64: 5>, scalar_prefetch = 0 : i64, scratch_operands = 0 : i64, tpu.core_type = #tpu.core_type<tc>, window_params = [{transform_indices = @transform_0, window_bounds = array<i64: 2000, 2>}, {transform_indices = @transform_1, window_bounds = array<i64: 2, 2000, 64>}, {transform_indices = @transform_2, window_bounds = array<i64: 2, 2000, 64>}, {pipeline_mode = #tpu.pipeline_mode<synchronous>, transform_indices = @transform_3, window_bounds = array<i64: 1, 128>}, {transform_indices = @transform_4, window_bounds = array<i64: 2000, 128>}]} {
    %get3A = arith.constant 0 : index
    %get3A_0 = arith.constant 0 : index
    %get3A_1 = vector.load %arg1[%get3A, %get3A_0] : memref<2000x2xf32, #tpu.memory_space<vmem>>, vector<2000x1xf32>
    %get3A_2 = arith.constant 0 : index
    %get3A_3 = arith.constant 1 : index
    %get3A_4 = vector.load %arg1[%get3A_2, %get3A_3] : memref<2000x2xf32, #tpu.memory_space<vmem>>, vector<2000x1xf32>
    %add3A = arith.addf %get3A_1, %get3A_4 : vector<2000x1xf32>
    %add3A_5 = arith.constant 1.000000e+00 : f32
    %add3A_6 = vector.broadcast %add3A_5 : f32 to vector<2000x1xf32>
    %add3A_7 = arith.addf %add3A, %add3A_6 : vector<2000x1xf32>
    %rsqrt3A = math.rsqrt %add3A_7 : vector<2000x1xf32>
    %get3A_8 = arith.constant 0 : index
    %get3A_9 = arith.constant 0 : index
    %get3A_10 = arith.constant 0 : index
    %get3A_11 = vector.load %arg2[%get3A_8, %get3A_9, %get3A_10] : memref<2x2000x64xf32, #tpu.memory_space<vmem>>, vector<1x2000x64xf32>
    %get3A_12 = vector.shape_cast %get3A_11 : vector<1x2000x64xf32> to vector<2000x64xf32>
    %get3A_13 = arith.constant 0 : index
    %get3A_14 = arith.constant 0 : index
    %get3A_15 = arith.constant 0 : index
    %get3A_16 = vector.load %arg3[%get3A_13, %get3A_14, %get3A_15] : memref<2x2000x64xf32, #tpu.memory_space<vmem>>, vector<1x2000x64xf32>
    %get3A_17 = vector.shape_cast %get3A_16 : vector<1x2000x64xf32> to vector<2000x64xf32>
    %add3A_18 = arith.addf %get3A_12, %get3A_17 : vector<2000x64xf32>
    %get3A_19 = arith.constant 1 : index
    %get3A_20 = arith.constant 0 : index
    %get3A_21 = arith.constant 0 : index
    %get3A_22 = vector.load %arg2[%get3A_19, %get3A_20, %get3A_21] : memref<2x2000x64xf32, #tpu.memory_space<vmem>>, vector<1x2000x64xf32>
    %get3A_23 = vector.shape_cast %get3A_22 : vector<1x2000x64xf32> to vector<2000x64xf32>
    %get3A_24 = arith.constant 1 : index
    %get3A_25 = arith.constant 0 : index
    %get3A_26 = arith.constant 0 : index
    %get3A_27 = vector.load %arg3[%get3A_24, %get3A_25, %get3A_26] : memref<2x2000x64xf32, #tpu.memory_space<vmem>>, vector<1x2000x64xf32>
    %get3A_28 = vector.shape_cast %get3A_27 : vector<1x2000x64xf32> to vector<2000x64xf32>
    %add3A_29 = arith.addf %get3A_23, %get3A_28 : vector<2000x64xf32>
    %concatenate3A = tpu.concatenate %add3A_18, %add3A_29 in 1 : vector<2000x64xf32>, vector<2000x64xf32> -> vector<2000x128xf32>
    %mul3A = vector.broadcast %rsqrt3A : vector<2000x1xf32> to vector<2000x128xf32>
    %mul3A_30 = arith.mulf %concatenate3A, %mul3A : vector<2000x128xf32>
    %get3A_31 = arith.constant 0 : index
    %get3A_32 = arith.constant 0 : index
    %get3A_33 = vector.load %arg4[%get3A_31, %get3A_32] : memref<1x128xf32, #tpu.memory_space<vmem>>, vector<1x128xf32>
    %add3A_34 = vector.broadcast %get3A_33 : vector<1x128xf32> to vector<2000x128xf32>
    %add3A_35 = arith.addf %mul3A_30, %add3A_34 : vector<2000x128xf32>
    %swap3A = arith.constant 0 : index
    %swap3A_36 = arith.constant 0 : index
    %swap3A_37 = vector.load %arg5[%swap3A, %swap3A_36] : memref<2000x128xf32, #tpu.memory_space<vmem>>, vector<2000x128xf32>
    tpu.vector_store %arg5[%swap3A, %swap3A_36], %add3A_35 {strides = array<i32>} : memref<2000x128xf32, #tpu.memory_space<vmem>>, vector<2000x128xf32>,
    return
  }
  func.func @transform_0(%arg0: i32) -> (i32, i32) {
    %c0_i32 = arith.constant 0 : i32
    %c0_i32_0 = arith.constant 0 : i32
    return %arg0, %c0_i32 : i32, i32
  }
  func.func @transform_1(%arg0: i32) -> (i32, i32, i32) {
    %c0_i32 = arith.constant 0 : i32
    %c0_i32_0 = arith.constant 0 : i32
    %c0_i32_1 = arith.constant 0 : i32
    return %c0_i32, %arg0, %c0_i32_0 : i32, i32, i32
  }
  func.func @transform_2(%arg0: i32) -> (i32, i32, i32) {
    %c0_i32 = arith.constant 0 : i32
    %c0_i32_0 = arith.constant 0 : i32
    %c0_i32_1 = arith.constant 0 : i32
    return %c0_i32, %arg0, %c0_i32_0 : i32, i32, i32
  }
  func.func @transform_3(%arg0: i32) -> (i32, i32) {
    %c0_i32 = arith.constant 0 : i32
    %c0_i32_0 = arith.constant 0 : i32
    %c0_i32_1 = arith.constant 0 : i32
    return %c0_i32, %c0_i32_0 : i32, i32
  }
  func.func @transform_4(%arg0: i32) -> (i32, i32) {
    %c0_i32 = arith.constant 0 : i32
    %c0_i32_0 = arith.constant 0 : i32
    return %arg0, %c0_i32 : i32, i32
  }
}

</mosaic_0001>

<sc_bundles>
// kernel: kernel.11.cloned.1.call-start
scs
__scs_entry_jumppad:
0x0: {  	(pc) =	sbr.rel $0x88, $3  }
0x1: {  	(tag) =	ssettag $0x0;
	lr =	simm.s32 $0x1  }
0x2: {  	[smem:$0x3F9B] =	sst lr;
	_ =	strace $0xD0000000  }
0x3: {  	_ = 	snop  }
0x4: {  	_ = 	snop  }
0x5: {  	_ = 	snop  }
0x6: {  	_ = 	snop  }
0x7: {  	_ = 	snop  }
__scs_overlays_trampoline_lowered:
0x8: {  	[smem:$0x3FAA] =	sst s0  }
0x9: {  	[smem:$0x3FAB] =	sst s1  }
0xa: {  	[smem:$0x3FAC] =	sst s2  }
0xb: {  	[smem:$0x3FAD] =	sst s3  }
0xc: {  	[smem:$0x3FAE] =	sst s4  }
0xd: {  	[smem:$0x3FAF] =	sst s5  }
0xe: {  	[smem:$0x3FB0] =	sst s6  }
0xf: {  	[smem:$0x3FB1] =	sst s7  }
0x10: {  	[smem:$0x3FB2] =	sst s8  }
0x11: {  	[smem:$0x3FB3] =	sst s9;
	s0 =	simm.s32 @!p0 $0x0  }
0x12: {  	s1 =	sld [smem:$0x3F99];
	s0 =	simm.s32 @p0 $0x1  }
0x13: {  	[smem:$0x3FB4] =	sst s0;
	s0 =	simm.s32 @!p1 $0x0  }
0x14: {  	s2 =	sld [smem:$0x3F98];
	s0 =	simm.s32 @p1 $0x1  }
0x15: {  	[smem:$0x3FB5] =	sst s0;
	s0 =	simm.s32 @!p2 $0x0  }
0x16: {  	s3 =	sld [smem:$0x3FDB];
	s0 =	simm.s32 @p2 $0x1  }
0x17: {  	s4 =	simm.s32 $0x1BF5;
	[smem:$0x3FB7] =	sst s0  }
0x18: {  	s0 =	sld [smem:$0x3F9A];
	_ =	swait.ge [sflag:s4], $0x0  }
0x19: {  	s7 =	sld [smem:$0x3F9B]  }
0x1a: {  	s8 =	sadd.s32 $0xFFFFE003, lr  }
0x1b: {  	s9 =	sadd.s32 $0xFFFFFEF7, lr;
	s5 =	simm.s32 $0xFFFFFFFF;
	p2 =	slt.u32 s8, $0xFFFFF086  }
0x1c: {  	p1 =	slt.u32 s9, $0xF7A;
	s5 =	simm.s32 @!p2 $0x0  }
0x1d: {  	s5 =	simm.s32 @p1 $0x1;
	p0 =	seq.s32 s7, s2  }
0x1e: {  	s7 =	smul.u32 @!p0 $0xF7A, s2;
	p2 =	seq.s32 @!p0 s5, $0x0  }
0x1f: {  	s9 =	smul.u32 $0xF7A, s1;
	s8 =	simm.s32 @!p0 $0x1BF5;
	p2 =	por !p2, p0  }
0x20: {  	[sflag:s8] =	ssyncset.s32 @!p0 $0xFFFFF086;
	s6 =	sadd.s32 @!p0 s3, s7;
	s7 =	simm.s32 @!p0 $0x108  }
0x21: {  	s3 =	sadd.s32 s3, s9;
	s6 =	sadd.s32 @!p0 $0x88, s6;
	s7 =	simm.s32 @p2 $0x1082  }
0x22: {  	[simem:s7], [sflag:s8] =	dma.local @!p0 [hbm:s6], $0xF7A  }
0x23: {  	s9 =	sor.u32 $0xD0000000, s2;
	s6 =	simm.s32 $0x108;
	_ =	swait.ge @!p0 [sflag:s8], $0x0  }
0x24: {  	s3 =	sadd.s32 $0x88, s3;
	s6 =	simm.s32 @!p1 $0x1082;
	[sflag:s4] =	ssyncset.s32 $0xFFFFF086  }
0x25: {  	[simem:s6], [sflag:s4] =	dma.local [hbm:s3], $0xF7A  }
0x26: {  	[smem:$0x3F9B] =	sst s1;
	(tag) =	ssettag s2;
	_ =	strace s9  }
0x27: {  	s1 =	sld [smem:$0x3FAB]  }
0x28: {  	s2 =	sld [smem:$0x3FAC]  }
0x29: {  	s4 =	sld [smem:$0x3FAE]  }
0x2a: {  	p0 =	seq.s32 s5, $0x0;
	s5 =	sld [smem:$0x3FAF]  }
0x2b: {  	s6 =	sld [smem:$0x3FB0]  }
0x2c: {  	s7 =	sld [smem:$0x3FB1]  }
0x2d: {  	s3 =	simm.s32 $0x108;
	s8 =	sld [smem:$0x3FB2]  }
0x2e: {  	s3 =	simm.s32 @!p0 $0x1082;
	s9 =	sld [smem:$0x3FB3]  }
0x2f: {  	lr =	sadd.s32 s0, s3;
	s0 =	sld [smem:$0x3FAA]  }
0x30: {  	s3 =	sld [smem:$0x3FAD]  }
0x31: {  	[smem:$0x3FB6] =	sst s10  }
0x32: {  	s10 =	sld [smem:$0x3FB4];
	_ =	sdelay $0x3  }
0x33: {  	p0 =	seq.s32 s10, $0x1;
	s10 =	sld [smem:$0x3FB6];
	_ =	sdelay $0x3  }
0x34: {  	[smem:$0x3FB6] =	sst s10  }
0x35: {  	s10 =	sld [smem:$0x3FB5];
	_ =	sdelay $0x3  }
0x36: {  	p1 =	seq.s32 s10, $0x1;
	s10 =	sld [smem:$0x3FB6];
	_ =	sdelay $0x3  }
0x37: {  	[smem:$0x3FB6] =	sst s10  }
0x38: {  	s10 =	sld [smem:$0x3FB7]  }
0x39: {  	_ = 	snop;
	(pc) =	sbr.ind lr, $3  }
0x3a: {  	_ = 	snop  }
0x3b: {  	_ = 	snop  }
0x3c: {  	p2 =	seq.s32 s10, $0x1;
	s10 =	sld [smem:$0x3FB6]  }
0x3d: {  	_ =	shalt  }
0x3e: {  	_ =	shalt  }
0x3f: {  	_ =	shalt  }
0x40: {  	_ =	shalt  }
0x41: {  	_ =	shalt  }
0x42: {  	_ =	shalt  }
0x43: {  	_ =	shalt  }
0x44: {  	_ =	shalt  }
0x45: {  	_ =	shalt  }
0x46: {  	_ =	shalt  }
0x47: {  	_ =	shalt  }
0x48: {  	_ =	shalt  }
0x49: {  	_ =	shalt  }
0x4a: {  	_ =	shalt  }
0x4b: {  	_ =	shalt  }
0x4c: {  	_ =	shalt  }
0x4d: {  	_ =	shalt  }
0x4e: {  	_ =	shalt  }
0x4f: {  	_ =	shalt  }
0x50: {  	_ =	shalt  }
0x51: {  	_ =	shalt  }
0x52: {  	_ =	shalt  }
0x53: {  	_ =	shalt  }
0x54: {  	_ =	shalt  }
0x55: {  	_ =	shalt  }
0x56: {  	_ =	shalt  }
0x57: {  	_ =	shalt  }
0x58: {  	_ =	shalt  }
0x59: {  	_ =	shalt  }
0x5a: {  	_ =	shalt  }
0x5b: {  	_ =	shalt  }
0x5c: {  	_ =	shalt  }
0x5d: {  	_ =	shalt  }
0x5e: {  	_ =	shalt  }
0x5f: {  	_ =	shalt  }
0x60: {  	_ =	shalt  }
0x61: {  	_ =	shalt  }
0x62: {  	_ =	shalt  }
0x63: {  	_ =	shalt  }
0x64: {  	_ =	shalt  }
0x65: {  	_ =	shalt  }
0x66: {  	_ =	shalt  }
0x67: {  	_ =	shalt  }
0x68: {  	_ =	shalt  }
0x69: {  	_ =	shalt  }
0x6a: {  	_ =	shalt  }
0x6b: {  	_ =	shalt  }
0x6c: {  	_ =	shalt  }
0x6d: {  	_ =	shalt  }
0x6e: {  	_ =	shalt  }
0x6f: {  	_ =	shalt  }
0x70: {  	_ =	shalt  }
0x71: {  	_ =	shalt  }
0x72: {  	_ =	shalt  }
0x73: {  	_ =	shalt  }
0x74: {  	_ =	shalt  }
0x75: {  	_ =	shalt  }
0x76: {  	_ =	shalt  }
0x77: {  	_ =	shalt  }
0x78: {  	_ =	shalt  }
0x79: {  	_ =	shalt  }
0x7a: {  	_ =	shalt  }
0x7b: {  	_ =	shalt  }
0x7c: {  	_ =	shalt  }
0x7d: {  	_ =	shalt  }
0x7e: {  	_ =	shalt  }
0x7f: {  	_ =	shalt  }
0x80: {  	_ =	shalt  }
0x81: {  	_ =	shalt  }
0x82: {  	_ =	shalt  }
0x83: {  	_ =	shalt  }
0x84: {  	_ =	shalt  }
0x85: {  	_ =	shalt  }
0x86: {  	_ =	shalt  }
0x87: {  	_ =	shalt  }
.Lfunc_end0:
.L_simem_size_0:
called_computation.1_lowered:
.L_overlay_start_0:
0x88: {  	s2 =	sld [smem:$0x3FD9]  }
0x89: {  	s3 =	sld [smem:$0x3FFE];
	_ =	sdelay $0x1  }
0x8a: {  	s1 =	srdreg.scid  }
0x8b: {  	s0 =	sand.u32 $0x1, s1  }
0x8c: {  	s17 =	sshll.u32 s0, $0xA;
	s2 =	sadd.s32 s3, s2  }
0x8d: {  	s2 =	sadd.s32 s2, s17  }
0x8e: {  	[smem:$0x3FC2] =	sst s2  }
0x8f: {  	_ = 	snop  }
0x90: {  	s2 =	sld [smem:$0x3FD0];
	(tm) =	ssettm $0x1  }
0x91: {  	s18 =	sld [smem:$0x3FFB];
	_ =	sdelay $0x3  }
0x92: {  	_ =	strace s18  }
0x93: {  	s3 =	sld [smem:$0x3FFC];
	_ =	sdelay $0x3  }
0x94: {  	_ =	strace s3  }
0x95: {  	s3 =	sld [smem:$0x3FFD];
	_ =	sdelay $0x3  }
0x96: {  	_ =	strace s3  }
0x97: {  	_ =	strace $0x8FFFFFFF  }
0x98: {  	s19 =	sld [smem:$0x3FDB];
	_ =	sdelay $0x1  }
0x99: {  	s4 =	simm.s32 $_scs_section_size  }
0x9a: {  	s5 =	simm.s32 $_size__tile_overlayer_lowered;
	s6 =	simm.s32 $_tile_overlayer_lowered  }
0x9b: {  	s22 =	simm.s32 $0x1BFF;
	s21 =	sshll.u32 s6, $0x1;
	s3 =	sadd.s32 s4, s19  }
0x9c: {  	s7 =	simm.s32 $0x0;
	s20 =	sshll.u32 s5, $0x1;
	s5 =	sadd.s32 s21, s3  }
0x9d: {  	[timem:s7], [sflag:s22] =	dma.local [hbm:s5], s20  }
0x9e: {  	_ =	swait.ge [sflag:s22], s20  }
0x9f: {  	s4 =	ssub.s32 $0x0, s20;
	[sflag:s22] =	ssyncset.done $0x0  }
0xa0: {  	[sflag:s22] =	ssyncadd.s32 s4;
	_ =	sdelay $0x1  }
0xa1: {  	s23 =	simm.s32 $0x1B8B  }
0xa2: {  	_ =	swait.ge [sflag:s23], $0x1  }
0xa3: {  	[sflag:s23] =	ssyncset.done $0x0  }
0xa4: {  	s25 =	simm.s32 $0x1B8E;
	s24 =	sld [smem:$0x3FFE];
	[sflag:s23] =	ssyncadd.s32 $0xFFFFFFFF  }
0xa5: {  	s26 =	simm.s32 $execute0_lowered;
	[smem:$0x3FD2] =	sst s25  }
0xa6: {  	s5 =	sshll.u32 s26, $0x1;
	_ =	strace $0x80000049;
	[dreg:$0x1] =	wrdreg $0xFFFFFFFF  }
0xa7: {  	s28 =	simm.s32 $_size_execute0_lowered;
	s3 =	sadd.s32 s3, s5;
	[dreg:$0x0] =	wrdreg $0x0  }
0xa8: {  	s5 =	sshll.u32 s28, $0x1;
	[dreg:$0x2] =	wrdreg s3  }
0xa9: {  	[dreg:$0x3] =	wrdreg s5  }
0xaa: {  	[dreg:$0x4] =	wrdreg $0xC0  }
0xab: {  	_ =	task [dreg:s7], $0x5FFFF  }
0xac: {  	[dreg:$0x1] =	wrdreg $0xFFFFFFFF  }
0xad: {  	[dreg:$0x0] =	wrdreg $0x60  }
0xae: {  	[dreg:$0x2] =	wrdreg s2  }
0xaf: {  	[dreg:$0x3] =	wrdreg s24  }
0xb0: {  	[dreg:$0x4] =	wrdreg $0x13E000  }
0xb1: {  	[dreg:$0x5] =	wrdreg $0x9  }
0xb2: {  	_ =	task.clear_ibuf [dreg:s7], $0x6FFFF;
	_ =	strace $0x90000049  }
0xb3: {  	s29 =	simm.s32 $0x9;
	_ =	strace $0x8000004B  }
0xb4: {  	_ =	swait.ge [sflag:s29], $0x1  }
0xb5: {  	[sflag:s29] =	ssyncadd.s32 $0xFFFFFFFF  }
0xb6: {  	_ =	strace $0x9000004B  }
0xb7: {  	_ =	sfence  }
0xb8: {  	s30 =	sld [smem:$0x0];
	_ =	sdelay $0x2  }
0xb9: {  	s31 =	sshll.u32 s1, $0xD;
	s1 =	sshrl.u32 s1, $0x2  }
0xba: {  	s3 =	sand.u32 $0x4000, s31;
	s1 =	sadd.s32 s1, s30  }
0xbb: {  	s0 =	sor.u32 s3, s0;
	s1 =	sshll.u32 s1, $0x11  }
0xbc: {  	s0 =	sor.u32 s1, s0  }
0xbd: {  	s0 =	sadd.s32 $0x8F2B, s0  }
0xbe: {  	[sflag:s0] =	ssyncadd.remote.s32 $0x1  }
0xbf: {  	_ =	sfence.sel $0xFFFF  }
0xc0: {  	[dreg:$0x0] =	wrdreg $0xFFFFFFFF;
	(pc) =	sbr.abs _section_cstart, $3  }
0xc1: {  	[dreg:$0x1] =	wrdreg $0xFFFFFFFF  }
0xc2: {  	_ =	task.clear_ibuf [dreg:s7], $0x2FFFF;
	_ =	strace $0x9FFFFFFF  }
0xc3: {  	(tm) =	ssettm $0x7FFFFFFF  }
tec
execute0_lowered:
.L_overlay_start_1:
0x0: {  	(tag) =	ssettag $0x1  }
0x1: {  	s1 =	rddreg [dreg:$0x0];
	s2 =	srdreg.scid  }
0x2: {  	s0 =	stileid.u32;
	s5 =	rddreg [dreg:$0x1]  }
0x3: {  	s3 =	rddreg [dreg:$0x2];
	s4 =	simm.s32 $0x0;
	s15 =	simm.s32 $0x3  }
0x4: {  	s16 =	simm.s32 $0x4F00;
	s17 =	simm.s32 $0x100;
	s18 =	simm.s32 $0x9E00  }
0x5: {  	s19 =	simm.s32 $0xDE00;
	s20 =	simm.s32 $0x1;
	s21 =	simm.s32 $0x2  }
0x6: {  	s22 =	simm.s32 $0x9B00;
	s23 =	simm.s32 $0x4E00;
	s7 =	smul.u32 $0x4F00, s0  }
0x7: {  	s24 =	simm.s32 $0x9C00;
	s6 =	sand.u32 $0x1, s2;
	s9 =	smul.u32 $0xA000, s0  }
0x8: {  	s25 =	simm.s32 $0x9D00;
	s2 =	rddreg [dreg:$0x3];
	s8 =	smul.u32 $0x4F000, s6  }
0x9: {  	[smem:$0x7FF] =	sst s4;
	s10 =	smul.u32 $0xA0000, s6;
	s6 =	ssub.s32 $0x2, s6  }
0xa: {  	s28 =	smul.u32 $0x28000, s0;
	_ =	strace $0x8000004A;
	s30 =	sshrl.u32 s6, $0x1  }
0xb: {  	s8 =	sadd.s32 s7, s8;
	s7 =	sshrl.u32 s7, $0x3;
	s29 =	sadd.s32 s9, s10  }
0xc: {  	s14 =	ssub.s32 s6, s30;
	s8 =	sshrl.u32 s8, $0x3;
	s12 =	sadd.s32 s7, s5  }
0xd: {  	s7 =	sshrl.u32 s29, $0x3;
	s11 =	sadd.s32 s8, s5;
	s8 =	sshrl.u32 s28, $0x2  }
0xe: {  	s13 =	sadd.s32 s7, s5;
	s5 =	sadd.s32 s9, s3;
	s31 =	sadd.s32 s8, s3  }
0xf: {  	s10 =	sadd.s32 $0x2200, s11;
	s11 =	sadd.s32 $0x15E00, s12;
	s12 =	sadd.s32 $0x6DE00, s13  }
0x10: {  	s13 =	smax.u32 s14, $0x1;
	s14 =	simm.s32 $0x11E00;
	s6 =	sadd.s32 $0x2000, s31  }
0x11: {  	v0 =	vimm.f32 $0.0e+00;
	s7 =	sadd.s32 $0x4000, s31;
	s8 =	sadd.s32 $0x6000, s31;
	s9 =	sadd.s32 $0x8000, s31  }
.LBB2_1:
0x12: {  	s28 =	simm.s32 $0x100;
	s26 =	simm.s32 $0x0  }
.LBB2_2:
0x13: {  	p0 =	sne.s32 s28, $0x7F00;
	[tilespmem:s26+$0x11E30] =	vst v0;
	s29 =	smov.u32 s28;
	s28 =	sadd.s32 $0x100, s28  }
.Ltmp0:
0x14: {  	[tilespmem:s26+$0x11E20] =	vst v0;
	(pc) =	sbr.rel @p0 .LBB2_2-.Ltmp0, $3  }
0x15: {  	[tilespmem:s26+$0x11E00] =	vst v0  }
0x16: {  	[tilespmem:s26+$0x11E10] =	vst v0;
	_ =	sdelay $0x1  }
0x17: {  	s26 =	sshra.s32 s29, $0x2  }
0x18: {  	[tilespmem:s26+$0x11E30] =	vst v0  }
0x19: {  	[tilespmem:s26+$0x11E20] =	vst v0  }
0x1a: {  	[tilespmem:s26+$0x11E00] =	vst v0  }
0x1b: {  	[tilespmem:s26+$0x11E10] =	vst v0  }
0x1c: {  	[spmem:s5] =	stream.linear.scatter [tilespmem:s14], [sflag:$0x3], $0x2000, $0x38;
	[tilespmem:$0x1DE00] =	vst v63  }
0x1d: {  	_ =	swait.ge [sflag:s15], $0x2000  }
0x1e: {  	[sflag:s15] =	ssyncset.done $0x0  }
0x1f: {  	[sflag:s15] =	ssyncadd.s32 $0xFFFFE000  }
0x20: {  	[spmem:s6] =	stream.linear.scatter [tilespmem:s14], [sflag:$0x3], $0x2000, $0x38;
	[tilespmem:$0x1DE00] =	vst v63  }
0x21: {  	_ =	swait.ge [sflag:s15], $0x2000  }
0x22: {  	[sflag:s15] =	ssyncset.done $0x0  }
0x23: {  	[sflag:s15] =	ssyncadd.s32 $0xFFFFE000  }
0x24: {  	[spmem:s7] =	stream.linear.scatter [tilespmem:s14], [sflag:$0x3], $0x2000, $0x38;
	[tilespmem:$0x1DE00] =	vst v63  }
0x25: {  	_ =	swait.ge [sflag:s15], $0x2000  }
0x26: {  	[sflag:s15] =	ssyncset.done $0x0  }
0x27: {  	[sflag:s15] =	ssyncadd.s32 $0xFFFFE000  }
0x28: {  	[spmem:s8] =	stream.linear.scatter [tilespmem:s14], [sflag:$0x3], $0x2000, $0x38;
	[tilespmem:$0x1DE00] =	vst v63  }
0x29: {  	_ =	swait.ge [sflag:s15], $0x2000  }
0x2a: {  	[sflag:s15] =	ssyncset.done $0x0  }
0x2b: {  	[sflag:s15] =	ssyncadd.s32 $0xFFFFE000  }
0x2c: {  	[spmem:s9] =	stream.linear.scatter [tilespmem:s14], [sflag:$0x3], $0x2000, $0x38;
	[tilespmem:$0x1DE00] =	vst v63  }
0x2d: {  	_ =	swait.ge [sflag:s15], $0x2000  }
0x2e: {  	[sflag:s15] =	ssyncset.done $0x0  }
0x2f: {  	[sflag:s15] =	ssyncadd.s32 $0xFFFFE000  }
0x30: {  	s31 =	simm.s32 $0x0;
	[bflag:$0x0] =	sbarrier.arrive $0xFFFF  }
0x31: {  	[tilespmem:s31], [sflag:$0x3] =	stream.linear.gather [hbm4b:s10+s31], $0x4F00, $0x38;
	[tilespmem:$0x1DE00] =	vst v63  }
0x32: {  	_ =	swait.ge [sflag:s15], $0x4F00  }
0x33: {  	[sflag:s15] =	ssyncset.done $0x0  }
0x34: {  	[sflag:s15] =	ssyncadd.s32 $0xFFFFB100  }
0x35: {  	[tilespmem:s16], [sflag:$0x3] =	stream.linear.gather [hbm4b:s11+s31], $0x4F00, $0x38;
	[tilespmem:$0x1DE00] =	vst v63  }
0x36: {  	_ =	swait.ge [sflag:s15], $0x4F00  }
0x37: {  	[sflag:s15] =	ssyncset.done $0x0  }
0x38: {  	[sflag:s15] =	ssyncadd.s32 $0xFFFFB100  }
0x39: {  	[tilespmem:s18], [sflag:$0x1] =	stream.indirect.gather [hbm4b:s1+s17], $0x40, s31, s17, $0xb8;
	[tilespmem:$0x1DE00] =	vst v63  }
0x3a: {  	_ = 	snop  }
0x3b: {  	[tilespmem:s19], [sflag:$0x2] =	stream.indirect.gather [hbm4b:s1+s17], $0x40, s17, s17, $0xb8;
	[tilespmem:$0x1DE00] =	vst v63  }
0x3c: {  	_ =	swait.ge [sflag:s20], $0x4000  }
0x3d: {  	[sflag:s20] =	ssyncset.done $0x0  }
0x3e: {  	s29 =	simm.s32 $0x4F00;
	[sflag:s20] =	ssyncadd.s32 $0xFFFFC000  }
0x3f: {  	[spmem:s3] =	stream.indirect.scatter.add.f32 [tilespmem:s18], [sflag:$0x3], $0x40, s29, s17, $0xb8;
	[tilespmem:$0x1DE00] =	vst v63  }
0x40: {  	_ =	swait.ge [sflag:s15], $0x4000  }
0x41: {  	[sflag:s15] =	ssyncset.done $0x0  }
0x42: {  	s30 =	simm.s32 $0x200;
	[sflag:s15] =	ssyncadd.s32 $0xFFFFC000  }
0x43: {  	[tilespmem:s18], [sflag:$0x1] =	stream.indirect.gather [hbm4b:s1+s17], $0x40, s30, s17, $0xb8;
	[tilespmem:$0x1DE00] =	vst v63  }
0x44: {  	_ =	swait.ge [sflag:s21], $0x4000  }
0x45: {  	[sflag:s21] =	ssyncset.done $0x0  }
0x46: {  	s31 =	simm.s32 $0x5000;
	[sflag:s21] =	ssyncadd.s32 $0xFFFFC000  }
0x47: {  	[spmem:s3] =	stream.indirect.scatter.add.f32 [tilespmem:s19], [sflag:$0x3], $0x40, s31, s17, $0xb8;
	[tilespmem:$0x1DE00] =	vst v63  }
0x48: {  	_ =	swait.ge [sflag:s15], $0x4000  }
0x49: {  	[sflag:s15] =	ssyncset.done $0x0  }
0x4a: {  	s26 =	simm.s32 $0x800;
	s28 =	simm.s32 $0x300;
	[sflag:s15] =	ssyncadd.s32 $0xFFFFC000  }
.LBB2_4:
0x4b: {  	[tilespmem:s19], [sflag:$0x2] =	stream.indirect.gather [hbm4b:s1+s17], $0x40, s28, s17, $0xb8;
	[tilespmem:$0x1DE00] =	vst v63  }
0x4c: {  	s28 =	smov.u32 s26  }
0x4d: {  	p0 =	sne.s32 s26, $0x12800;
	s26 =	sadd.s32 $0x800, s26;
	_ =	swait.ge [sflag:s20], $0x4000  }
0x4e: {  	s28 =	sshra.s32 s28, $0x2;
	[sflag:s20] =	ssyncset.done $0x0  }
0x4f: {  	s29 =	sadd.s32 $0x4F00, s28;
	[sflag:s20] =	ssyncadd.s32 $0xFFFFC000  }
0x50: {  	[spmem:s3] =	stream.indirect.scatter.add.f32 [tilespmem:s18], [sflag:$0x3], $0x40, s29, s17, $0xb8;
	[tilespmem:$0x1DE00] =	vst v63  }
0x51: {  	_ =	swait.ge [sflag:s15], $0x4000  }
0x52: {  	[sflag:s15] =	ssyncset.done $0x0  }
0x53: {  	s29 =	sadd.s32 $0x200, s28;
	[sflag:s15] =	ssyncadd.s32 $0xFFFFC000  }
0x54: {  	[tilespmem:s18], [sflag:$0x1] =	stream.indirect.gather [hbm4b:s1+s17], $0x40, s29, s17, $0xb8;
	[tilespmem:$0x1DE00] =	vst v63  }
0x55: {  	_ =	swait.ge [sflag:s21], $0x4000  }
0x56: {  	[sflag:s21] =	ssyncset.done $0x0  }
.Ltmp1:
0x57: {  	s29 =	sadd.s32 $0x5000, s28;
	[sflag:s21] =	ssyncadd.s32 $0xFFFFC000;
	(pc) =	sbr.rel @p0 .LBB2_4-.Ltmp1, $4  }
0x58: {  	[spmem:s3] =	stream.indirect.scatter.add.f32 [tilespmem:s19], [sflag:$0x3], $0x40, s29, s17, $0xb8;
	[tilespmem:$0x1DE00] =	vst v63  }
0x59: {  	_ =	swait.ge [sflag:s15], $0x4000  }
0x5a: {  	[sflag:s15] =	ssyncset.done $0x0  }
0x5b: {  	s28 =	sadd.s32 $0x300, s28;
	[sflag:s15] =	ssyncadd.s32 $0xFFFFC000  }
0x5c: {  	[tilespmem:s19], [sflag:$0x2] =	stream.indirect.gather [hbm4b:s1+s17], $0x40, s28, s17, $0xb8;
	[tilespmem:$0x1DE00] =	vst v63  }
0x5d: {  	_ =	swait.ge [sflag:s20], $0x4000  }
0x5e: {  	[sflag:s20] =	ssyncset.done $0x0  }
0x5f: {  	[sflag:s20] =	ssyncadd.s32 $0xFFFFC000  }
0x60: {  	[spmem:s3] =	stream.indirect.scatter.add.f32 [tilespmem:s18], [sflag:$0x3], $0x40, s22, s17, $0xb8;
	[tilespmem:$0x1DE00] =	vst v63  }
0x61: {  	_ =	swait.ge [sflag:s15], $0x4000  }
0x62: {  	[sflag:s15] =	ssyncset.done $0x0  }
0x63: {  	[sflag:s15] =	ssyncadd.s32 $0xFFFFC000  }
0x64: {  	[tilespmem:s18], [sflag:$0x1] =	stream.indirect.gather [hbm4b:s1+s17], $0x40, s23, s17, $0xb8;
	[tilespmem:$0x1DE00] =	vst v63  }
0x65: {  	_ =	swait.ge [sflag:s21], $0x4000  }
0x66: {  	[sflag:s21] =	ssyncset.done $0x0  }
0x67: {  	[sflag:s21] =	ssyncadd.s32 $0xFFFFC000  }
0x68: {  	[spmem:s3] =	stream.indirect.scatter.add.f32 [tilespmem:s19], [sflag:$0x3], $0x40, s24, s17, $0xb8;
	[tilespmem:$0x1DE00] =	vst v63  }
0x69: {  	_ =	swait.ge [sflag:s15], $0x4000  }
0x6a: {  	[sflag:s15] =	ssyncset.done $0x0  }
0x6b: {  	[sflag:s15] =	ssyncadd.s32 $0xFFFFC000  }
0x6c: {  	_ =	swait.ge [sflag:s20], $0x4000  }
0x6d: {  	[sflag:s20] =	ssyncset.done $0x0  }
0x6e: {  	[sflag:s20] =	ssyncadd.s32 $0xFFFFC000  }
0x6f: {  	[spmem:s3] =	stream.indirect.scatter.add.f32 [tilespmem:s18], [sflag:$0x3], $0x40, s25, s17, $0xb8;
	[tilespmem:$0x1DE00] =	vst v63  }
0x70: {  	_ =	swait.ge [sflag:s15], $0x4000  }
0x71: {  	s26 =	sshll.u32 s0, $0x6;
	s4 =	sadd.s32 $0x1, s4;
	[sflag:s15] =	ssyncset.done $0x0  }
0x72: {  	s31 =	sshrl.u32 s5, $0x3;
	p0 =	sne.s32 s4, s13;
	[sflag:s15] =	ssyncadd.s32 $0xFFFFC000  }
.Ltmp2:
0x73: {  	s26 =	sor.u32 $0x1C03, s26;
	[bflag:$0x0] =	sbarrier.arrive $0xFFFF;
	(pc) =	sbr.rel @p0 .LBB2_1-.Ltmp2, $4  }
0x74: {  	[hbm:s12], [sflag:s26] =	dma.local [spmem:s31], $0x1400  }
0x75: {  	_ =	swait.ge [sflag:s15], $0x1400  }
0x76: {  	[sflag:s15] =	ssyncset.done $0x0  }
0x77: {  	[sflag:s15] =	ssyncadd.s32 $0xFFFFEC00  }
0x78: {  	_ =	sfence.sel $0x180000  }
0x79: {  	[bflag:$0x0] =	sbarrier.arrive $0xFFFF  }
0x7a: {  	p0 =	sne.s32 s0, $0x0;
	_ =	strace $0x9000004A  }
0x7b: {  	s0 =	sadd.s32 @!p0 $0x100000, s2;
	[bflag:$0x2] =	sbarrier.arrive $0xFFFF  }
0x7c: {  	[sflag:s0] =	ssyncadd.tile.s32 @!p0 $0x1;
	_ =	shalt  }
.Lfunc_end2:
_tile_overlayer_lowered:
.L_overlay_start_2:
0x7d: {  	(tag) =	ssettag $0x2  }
0x7e: {  	s0 =	rddreg [dreg:$0x0];
	s2 =	stileid.u32  }
0x7f: {  	s1 =	rddreg [dreg:$0x1];
	p0 =	sne.s32 s2, $0x0  }
0x80: {  	s3 =	rddreg [dreg:$0x2];
	[bflag:$0x3] =	sbarrier.arrive $0xFFFF;
	s2 =	simm.s32 @!p0 $0x1C03  }
0x81: {  	[timem:s3], [sflag:s2] =	dma.local @!p0 [hbm:s0], s1  }
0x82: {  	s0 =	simm.s32 @!p0 $0x3  }
0x83: {  	_ =	swait.ge @!p0 [sflag:s0], s1  }
0x84: {  	s1 =	ssub.s32 @!p0 $0x0, s1;
	[sflag:s0] =	ssyncset.done @!p0 $0x0  }
0x85: {  	[sflag:s0] =	ssyncadd.s32 @!p0 s1  }
0x86: {  	[bflag:$0x3] =	sbarrier.arrive $0xFFFF  }
0x87: {  	_ =	shalt  }

// kernel: kernel.14.cloned.1.call-start
scs
__scs_entry_jumppad:
0x0: {  	(pc) =	sbr.rel $0x88, $3  }
0x1: {  	(tag) =	ssettag $0x0;
	lr =	simm.s32 $0x1  }
0x2: {  	[smem:$0x3F9B] =	sst lr;
	_ =	strace $0xD0000000  }
0x3: {  	_ = 	snop  }
0x4: {  	_ = 	snop  }
0x5: {  	_ = 	snop  }
0x6: {  	_ = 	snop  }
0x7: {  	_ = 	snop  }
__scs_overlays_trampoline_lowered:
0x8: {  	[smem:$0x3FAA] =	sst s0  }
0x9: {  	[smem:$0x3FAB] =	sst s1  }
0xa: {  	[smem:$0x3FAC] =	sst s2  }
0xb: {  	[smem:$0x3FAD] =	sst s3  }
0xc: {  	[smem:$0x3FAE] =	sst s4  }
0xd: {  	[smem:$0x3FAF] =	sst s5  }
0xe: {  	[smem:$0x3FB0] =	sst s6  }
0xf: {  	[smem:$0x3FB1] =	sst s7  }
0x10: {  	[smem:$0x3FB2] =	sst s8  }
0x11: {  	[smem:$0x3FB3] =	sst s9;
	s0 =	simm.s32 @!p0 $0x0  }
0x12: {  	s1 =	sld [smem:$0x3F99];
	s0 =	simm.s32 @p0 $0x1  }
0x13: {  	[smem:$0x3FB4] =	sst s0;
	s0 =	simm.s32 @!p1 $0x0  }
0x14: {  	s2 =	sld [smem:$0x3F98];
	s0 =	simm.s32 @p1 $0x1  }
0x15: {  	[smem:$0x3FB5] =	sst s0;
	s0 =	simm.s32 @!p2 $0x0  }
0x16: {  	s3 =	sld [smem:$0x3FDB];
	s0 =	simm.s32 @p2 $0x1  }
0x17: {  	s4 =	simm.s32 $0x1BF5;
	[smem:$0x3FB7] =	sst s0  }
0x18: {  	s0 =	sld [smem:$0x3F9A];
	_ =	swait.ge [sflag:s4], $0x0  }
0x19: {  	s7 =	sld [smem:$0x3F9B]  }
0x1a: {  	s8 =	sadd.s32 $0xFFFFE003, lr  }
0x1b: {  	s9 =	sadd.s32 $0xFFFFFEF7, lr;
	s5 =	simm.s32 $0xFFFFFFFF;
	p2 =	slt.u32 s8, $0xFFFFF086  }
0x1c: {  	p1 =	slt.u32 s9, $0xF7A;
	s5 =	simm.s32 @!p2 $0x0  }
0x1d: {  	s5 =	simm.s32 @p1 $0x1;
	p0 =	seq.s32 s7, s2  }
0x1e: {  	s7 =	smul.u32 @!p0 $0xF7A, s2;
	p2 =	seq.s32 @!p0 s5, $0x0  }
0x1f: {  	s9 =	smul.u32 $0xF7A, s1;
	s8 =	simm.s32 @!p0 $0x1BF5;
	p2 =	por !p2, p0  }
0x20: {  	[sflag:s8] =	ssyncset.s32 @!p0 $0xFFFFF086;
	s6 =	sadd.s32 @!p0 s3, s7;
	s7 =	simm.s32 @!p0 $0x108  }
0x21: {  	s3 =	sadd.s32 s3, s9;
	s6 =	sadd.s32 @!p0 $0x88, s6;
	s7 =	simm.s32 @p2 $0x1082  }
0x22: {  	[simem:s7], [sflag:s8] =	dma.local @!p0 [hbm:s6], $0xF7A  }
0x23: {  	s9 =	sor.u32 $0xD0000000, s2;
	s6 =	simm.s32 $0x108;
	_ =	swait.ge @!p0 [sflag:s8], $0x0  }
0x24: {  	s3 =	sadd.s32 $0x88, s3;
	s6 =	simm.s32 @!p1 $0x1082;
	[sflag:s4] =	ssyncset.s32 $0xFFFFF086  }
0x25: {  	[simem:s6], [sflag:s4] =	dma.local [hbm:s3], $0xF7A  }
0x26: {  	[smem:$0x3F9B] =	sst s1;
	(tag) =	ssettag s2;
	_ =	strace s9  }
0x27: {  	s1 =	sld [smem:$0x3FAB]  }
0x28: {  	s2 =	sld [smem:$0x3FAC]  }
0x29: {  	s4 =	sld [smem:$0x3FAE]  }
0x2a: {  	p0 =	seq.s32 s5, $0x0;
	s5 =	sld [smem:$0x3FAF]  }
0x2b: {  	s6 =	sld [smem:$0x3FB0]  }
0x2c: {  	s7 =	sld [smem:$0x3FB1]  }
0x2d: {  	s3 =	simm.s32 $0x108;
	s8 =	sld [smem:$0x3FB2]  }
0x2e: {  	s3 =	simm.s32 @!p0 $0x1082;
	s9 =	sld [smem:$0x3FB3]  }
0x2f: {  	lr =	sadd.s32 s0, s3;
	s0 =	sld [smem:$0x3FAA]  }
0x30: {  	s3 =	sld [smem:$0x3FAD]  }
0x31: {  	[smem:$0x3FB6] =	sst s10  }
0x32: {  	s10 =	sld [smem:$0x3FB4];
	_ =	sdelay $0x3  }
0x33: {  	p0 =	seq.s32 s10, $0x1;
	s10 =	sld [smem:$0x3FB6];
	_ =	sdelay $0x3  }
0x34: {  	[smem:$0x3FB6] =	sst s10  }
0x35: {  	s10 =	sld [smem:$0x3FB5];
	_ =	sdelay $0x3  }
0x36: {  	p1 =	seq.s32 s10, $0x1;
	s10 =	sld [smem:$0x3FB6];
	_ =	sdelay $0x3  }
0x37: {  	[smem:$0x3FB6] =	sst s10  }
0x38: {  	s10 =	sld [smem:$0x3FB7]  }
0x39: {  	_ = 	snop;
	(pc) =	sbr.ind lr, $3  }
0x3a: {  	_ = 	snop  }
0x3b: {  	_ = 	snop  }
0x3c: {  	p2 =	seq.s32 s10, $0x1;
	s10 =	sld [smem:$0x3FB6]  }
0x3d: {  	_ =	shalt  }
0x3e: {  	_ =	shalt  }
0x3f: {  	_ =	shalt  }
0x40: {  	_ =	shalt  }
0x41: {  	_ =	shalt  }
0x42: {  	_ =	shalt  }
0x43: {  	_ =	shalt  }
0x44: {  	_ =	shalt  }
0x45: {  	_ =	shalt  }
0x46: {  	_ =	shalt  }
0x47: {  	_ =	shalt  }
0x48: {  	_ =	shalt  }
0x49: {  	_ =	shalt  }
0x4a: {  	_ =	shalt  }
0x4b: {  	_ =	shalt  }
0x4c: {  	_ =	shalt  }
0x4d: {  	_ =	shalt  }
0x4e: {  	_ =	shalt  }
0x4f: {  	_ =	shalt  }
0x50: {  	_ =	shalt  }
0x51: {  	_ =	shalt  }
0x52: {  	_ =	shalt  }
0x53: {  	_ =	shalt  }
0x54: {  	_ =	shalt  }
0x55: {  	_ =	shalt  }
0x56: {  	_ =	shalt  }
0x57: {  	_ =	shalt  }
0x58: {  	_ =	shalt  }
0x59: {  	_ =	shalt  }
0x5a: {  	_ =	shalt  }
0x5b: {  	_ =	shalt  }
0x5c: {  	_ =	shalt  }
0x5d: {  	_ =	shalt  }
0x5e: {  	_ =	shalt  }
0x5f: {  	_ =	shalt  }
0x60: {  	_ =	shalt  }
0x61: {  	_ =	shalt  }
0x62: {  	_ =	shalt  }
0x63: {  	_ =	shalt  }
0x64: {  	_ =	shalt  }
0x65: {  	_ =	shalt  }
0x66: {  	_ =	shalt  }
0x67: {  	_ =	shalt  }
0x68: {  	_ =	shalt  }
0x69: {  	_ =	shalt  }
0x6a: {  	_ =	shalt  }
0x6b: {  	_ =	shalt  }
0x6c: {  	_ =	shalt  }
0x6d: {  	_ =	shalt  }
0x6e: {  	_ =	shalt  }
0x6f: {  	_ =	shalt  }
0x70: {  	_ =	shalt  }
0x71: {  	_ =	shalt  }
0x72: {  	_ =	shalt  }
0x73: {  	_ =	shalt  }
0x74: {  	_ =	shalt  }
0x75: {  	_ =	shalt  }
0x76: {  	_ =	shalt  }
0x77: {  	_ =	shalt  }
0x78: {  	_ =	shalt  }
0x79: {  	_ =	shalt  }
0x7a: {  	_ =	shalt  }
0x7b: {  	_ =	shalt  }
0x7c: {  	_ =	shalt  }
0x7d: {  	_ =	shalt  }
0x7e: {  	_ =	shalt  }
0x7f: {  	_ =	shalt  }
0x80: {  	_ =	shalt  }
0x81: {  	_ =	shalt  }
0x82: {  	_ =	shalt  }
0x83: {  	_ =	shalt  }
0x84: {  	_ =	shalt  }
0x85: {  	_ =	shalt  }
0x86: {  	_ =	shalt  }
0x87: {  	_ =	shalt  }
.Lfunc_end0:
.L_simem_size_0:
called_computation.2_lowered:
.L_overlay_start_0:
0x88: {  	s2 =	sld [smem:$0x3FD9]  }
0x89: {  	s3 =	sld [smem:$0x3FFE];
	_ =	sdelay $0x1  }
0x8a: {  	s1 =	srdreg.scid  }
0x8b: {  	s0 =	sand.u32 $0x1, s1  }
0x8c: {  	s17 =	sshll.u32 s0, $0xA;
	s2 =	sadd.s32 s3, s2  }
0x8d: {  	s2 =	sadd.s32 s2, s17  }
0x8e: {  	[smem:$0x3FC2] =	sst s2  }
0x8f: {  	_ = 	snop  }
0x90: {  	s2 =	sld [smem:$0x3FD0];
	(tm) =	ssettm $0x1  }
0x91: {  	s18 =	sld [smem:$0x3FFB];
	_ =	sdelay $0x3  }
0x92: {  	_ =	strace s18  }
0x93: {  	s3 =	sld [smem:$0x3FFC];
	_ =	sdelay $0x3  }
0x94: {  	_ =	strace s3  }
0x95: {  	s3 =	sld [smem:$0x3FFD];
	_ =	sdelay $0x3  }
0x96: {  	_ =	strace s3  }
0x97: {  	_ =	strace $0x8FFFFFFF  }
0x98: {  	s19 =	sld [smem:$0x3FDB];
	_ =	sdelay $0x1  }
0x99: {  	s4 =	simm.s32 $_scs_section_size  }
0x9a: {  	s5 =	simm.s32 $_size__tile_overlayer_lowered;
	s6 =	simm.s32 $_tile_overlayer_lowered  }
0x9b: {  	s22 =	simm.s32 $0x1BFF;
	s21 =	sshll.u32 s6, $0x1;
	s3 =	sadd.s32 s4, s19  }
0x9c: {  	s7 =	simm.s32 $0x0;
	s20 =	sshll.u32 s5, $0x1;
	s5 =	sadd.s32 s21, s3  }
0x9d: {  	[timem:s7], [sflag:s22] =	dma.local [hbm:s5], s20  }
0x9e: {  	_ =	swait.ge [sflag:s22], s20  }
0x9f: {  	s4 =	ssub.s32 $0x0, s20;
	[sflag:s22] =	ssyncset.done $0x0  }
0xa0: {  	[sflag:s22] =	ssyncadd.s32 s4;
	_ =	sdelay $0x1  }
0xa1: {  	s23 =	simm.s32 $0x1B8B  }
0xa2: {  	_ =	swait.ge [sflag:s23], $0x1  }
0xa3: {  	[sflag:s23] =	ssyncset.done $0x0  }
0xa4: {  	s25 =	simm.s32 $0x1B8E;
	s24 =	sld [smem:$0x3FFE];
	[sflag:s23] =	ssyncadd.s32 $0xFFFFFFFF  }
0xa5: {  	s26 =	simm.s32 $execute0_lowered;
	[smem:$0x3FD2] =	sst s25  }
0xa6: {  	s5 =	sshll.u32 s26, $0x1;
	_ =	strace $0x8000004C;
	[dreg:$0x1] =	wrdreg $0xFFFFFFFF  }
0xa7: {  	s28 =	simm.s32 $_size_execute0_lowered;
	s3 =	sadd.s32 s3, s5;
	[dreg:$0x0] =	wrdreg $0x0  }
0xa8: {  	s5 =	sshll.u32 s28, $0x1;
	[dreg:$0x2] =	wrdreg s3  }
0xa9: {  	[dreg:$0x3] =	wrdreg s5  }
0xaa: {  	[dreg:$0x4] =	wrdreg $0xC0  }
0xab: {  	_ =	task [dreg:s7], $0x5FFFF  }
0xac: {  	[dreg:$0x1] =	wrdreg $0xFFFFFFFF  }
0xad: {  	[dreg:$0x0] =	wrdreg $0x60  }
0xae: {  	[dreg:$0x2] =	wrdreg s2  }
0xaf: {  	[dreg:$0x3] =	wrdreg s24  }
0xb0: {  	[dreg:$0x4] =	wrdreg $0x13E000  }
0xb1: {  	[dreg:$0x5] =	wrdreg $0x9  }
0xb2: {  	_ =	task.clear_ibuf [dreg:s7], $0x6FFFF;
	_ =	strace $0x9000004C  }
0xb3: {  	s29 =	simm.s32 $0x9;
	_ =	strace $0x8000004E  }
0xb4: {  	_ =	swait.ge [sflag:s29], $0x1  }
0xb5: {  	[sflag:s29] =	ssyncadd.s32 $0xFFFFFFFF  }
0xb6: {  	_ =	strace $0x9000004E  }
0xb7: {  	_ =	sfence  }
0xb8: {  	s30 =	sld [smem:$0x0];
	_ =	sdelay $0x2  }
0xb9: {  	s31 =	sshll.u32 s1, $0xD;
	s1 =	sshrl.u32 s1, $0x2  }
0xba: {  	s3 =	sand.u32 $0x4000, s31;
	s1 =	sadd.s32 s1, s30  }
0xbb: {  	s0 =	sor.u32 s3, s0;
	s1 =	sshll.u32 s1, $0x11  }
0xbc: {  	s0 =	sor.u32 s1, s0  }
0xbd: {  	s0 =	sadd.s32 $0x8F2B, s0  }
0xbe: {  	[sflag:s0] =	ssyncadd.remote.s32 $0x1  }
0xbf: {  	_ =	sfence.sel $0xFFFF  }
0xc0: {  	[dreg:$0x0] =	wrdreg $0xFFFFFFFF;
	(pc) =	sbr.abs _section_cstart, $3  }
0xc1: {  	[dreg:$0x1] =	wrdreg $0xFFFFFFFF  }
0xc2: {  	_ =	task.clear_ibuf [dreg:s7], $0x2FFFF;
	_ =	strace $0x9FFFFFFF  }
0xc3: {  	(tm) =	ssettm $0x7FFFFFFF  }
tec
execute0_lowered:
.L_overlay_start_1:
0x0: {  	(tag) =	ssettag $0x1  }
0x1: {  	s1 =	rddreg [dreg:$0x0];
	s2 =	srdreg.scid  }
0x2: {  	s0 =	stileid.u32;
	s5 =	rddreg [dreg:$0x1]  }
0x3: {  	s3 =	rddreg [dreg:$0x2];
	s4 =	simm.s32 $0x0;
	s15 =	simm.s32 $0x3  }
0x4: {  	s16 =	simm.s32 $0x4F00;
	s17 =	simm.s32 $0x100;
	s18 =	simm.s32 $0x9E00  }
0x5: {  	s19 =	simm.s32 $0xDE00;
	s20 =	simm.s32 $0x1;
	s21 =	simm.s32 $0x2  }
0x6: {  	s22 =	simm.s32 $0x9B00;
	s23 =	simm.s32 $0x4E00;
	s7 =	smul.u32 $0x4F00, s0  }
0x7: {  	s24 =	simm.s32 $0x9C00;
	s6 =	sand.u32 $0x1, s2;
	s9 =	smul.u32 $0xA000, s0  }
0x8: {  	s25 =	simm.s32 $0x9D00;
	s2 =	rddreg [dreg:$0x3];
	s8 =	smul.u32 $0x4F000, s6  }
0x9: {  	[smem:$0x7FF] =	sst s4;
	s10 =	smul.u32 $0xA0000, s6;
	s6 =	ssub.s32 $0x2, s6  }
0xa: {  	s28 =	smul.u32 $0x28000, s0;
	_ =	strace $0x8000004D;
	s30 =	sshrl.u32 s6, $0x1  }
0xb: {  	s8 =	sadd.s32 s7, s8;
	s7 =	sshrl.u32 s7, $0x3;
	s29 =	sadd.s32 s9, s10  }
0xc: {  	s14 =	ssub.s32 s6, s30;
	s8 =	sshrl.u32 s8, $0x3;
	s12 =	sadd.s32 s7, s5  }
0xd: {  	s7 =	sshrl.u32 s29, $0x3;
	s11 =	sadd.s32 s8, s5;
	s8 =	sshrl.u32 s28, $0x2  }
0xe: {  	s13 =	sadd.s32 s7, s5;
	s5 =	sadd.s32 s9, s3;
	s31 =	sadd.s32 s8, s3  }
0xf: {  	s10 =	sadd.s32 $0x2200, s11;
	s11 =	sadd.s32 $0x15E00, s12;
	s12 =	sadd.s32 $0x1FC00, s13  }
0x10: {  	s13 =	smax.u32 s14, $0x1;
	s14 =	simm.s32 $0x11E00;
	s6 =	sadd.s32 $0x2000, s31  }
0x11: {  	v0 =	vimm.f32 $0.0e+00;
	s7 =	sadd.s32 $0x4000, s31;
	s8 =	sadd.s32 $0x6000, s31;
	s9 =	sadd.s32 $0x8000, s31  }
.LBB2_1:
0x12: {  	s28 =	simm.s32 $0x100;
	s26 =	simm.s32 $0x0  }
.LBB2_2:
0x13: {  	p0 =	sne.s32 s28, $0x7F00;
	[tilespmem:s26+$0x11E30] =	vst v0;
	s29 =	smov.u32 s28;
	s28 =	sadd.s32 $0x100, s28  }
.Ltmp0:
0x14: {  	[tilespmem:s26+$0x11E20] =	vst v0;
	(pc) =	sbr.rel @p0 .LBB2_2-.Ltmp0, $3  }
0x15: {  	[tilespmem:s26+$0x11E00] =	vst v0  }
0x16: {  	[tilespmem:s26+$0x11E10] =	vst v0;
	_ =	sdelay $0x1  }
0x17: {  	s26 =	sshra.s32 s29, $0x2  }
0x18: {  	[tilespmem:s26+$0x11E30] =	vst v0  }
0x19: {  	[tilespmem:s26+$0x11E20] =	vst v0  }
0x1a: {  	[tilespmem:s26+$0x11E00] =	vst v0  }
0x1b: {  	[tilespmem:s26+$0x11E10] =	vst v0  }
0x1c: {  	[spmem:s5] =	stream.linear.scatter [tilespmem:s14], [sflag:$0x3], $0x2000, $0x38;
	[tilespmem:$0x1DE00] =	vst v63  }
0x1d: {  	_ =	swait.ge [sflag:s15], $0x2000  }
0x1e: {  	[sflag:s15] =	ssyncset.done $0x0  }
0x1f: {  	[sflag:s15] =	ssyncadd.s32 $0xFFFFE000  }
0x20: {  	[spmem:s6] =	stream.linear.scatter [tilespmem:s14], [sflag:$0x3], $0x2000, $0x38;
	[tilespmem:$0x1DE00] =	vst v63  }
0x21: {  	_ =	swait.ge [sflag:s15], $0x2000  }
0x22: {  	[sflag:s15] =	ssyncset.done $0x0  }
0x23: {  	[sflag:s15] =	ssyncadd.s32 $0xFFFFE000  }
0x24: {  	[spmem:s7] =	stream.linear.scatter [tilespmem:s14], [sflag:$0x3], $0x2000, $0x38;
	[tilespmem:$0x1DE00] =	vst v63  }
0x25: {  	_ =	swait.ge [sflag:s15], $0x2000  }
0x26: {  	[sflag:s15] =	ssyncset.done $0x0  }
0x27: {  	[sflag:s15] =	ssyncadd.s32 $0xFFFFE000  }
0x28: {  	[spmem:s8] =	stream.linear.scatter [tilespmem:s14], [sflag:$0x3], $0x2000, $0x38;
	[tilespmem:$0x1DE00] =	vst v63  }
0x29: {  	_ =	swait.ge [sflag:s15], $0x2000  }
0x2a: {  	[sflag:s15] =	ssyncset.done $0x0  }
0x2b: {  	[sflag:s15] =	ssyncadd.s32 $0xFFFFE000  }
0x2c: {  	[spmem:s9] =	stream.linear.scatter [tilespmem:s14], [sflag:$0x3], $0x2000, $0x38;
	[tilespmem:$0x1DE00] =	vst v63  }
0x2d: {  	_ =	swait.ge [sflag:s15], $0x2000  }
0x2e: {  	[sflag:s15] =	ssyncset.done $0x0  }
0x2f: {  	[sflag:s15] =	ssyncadd.s32 $0xFFFFE000  }
0x30: {  	s31 =	simm.s32 $0x0;
	[bflag:$0x0] =	sbarrier.arrive $0xFFFF  }
0x31: {  	[tilespmem:s31], [sflag:$0x3] =	stream.linear.gather [hbm4b:s10+s31], $0x4F00, $0x38;
	[tilespmem:$0x1DE00] =	vst v63  }
0x32: {  	_ =	swait.ge [sflag:s15], $0x4F00  }
0x33: {  	[sflag:s15] =	ssyncset.done $0x0  }
0x34: {  	[sflag:s15] =	ssyncadd.s32 $0xFFFFB100  }
0x35: {  	[tilespmem:s16], [sflag:$0x3] =	stream.linear.gather [hbm4b:s11+s31], $0x4F00, $0x38;
	[tilespmem:$0x1DE00] =	vst v63  }
0x36: {  	_ =	swait.ge [sflag:s15], $0x4F00  }
0x37: {  	[sflag:s15] =	ssyncset.done $0x0  }
0x38: {  	[sflag:s15] =	ssyncadd.s32 $0xFFFFB100  }
0x39: {  	[tilespmem:s18], [sflag:$0x1] =	stream.indirect.gather [hbm4b:s1+s17], $0x40, s31, s17, $0xb8;
	[tilespmem:$0x1DE00] =	vst v63  }
0x3a: {  	_ = 	snop  }
0x3b: {  	[tilespmem:s19], [sflag:$0x2] =	stream.indirect.gather [hbm4b:s1+s17], $0x40, s17, s17, $0xb8;
	[tilespmem:$0x1DE00] =	vst v63  }
0x3c: {  	_ =	swait.ge [sflag:s20], $0x4000  }
0x3d: {  	[sflag:s20] =	ssyncset.done $0x0  }
0x3e: {  	s29 =	simm.s32 $0x4F00;
	[sflag:s20] =	ssyncadd.s32 $0xFFFFC000  }
0x3f: {  	[spmem:s3] =	stream.indirect.scatter.add.f32 [tilespmem:s18], [sflag:$0x3], $0x40, s29, s17, $0xb8;
	[tilespmem:$0x1DE00] =	vst v63  }
0x40: {  	_ =	swait.ge [sflag:s15], $0x4000  }
0x41: {  	[sflag:s15] =	ssyncset.done $0x0  }
0x42: {  	s30 =	simm.s32 $0x200;
	[sflag:s15] =	ssyncadd.s32 $0xFFFFC000  }
0x43: {  	[tilespmem:s18], [sflag:$0x1] =	stream.indirect.gather [hbm4b:s1+s17], $0x40, s30, s17, $0xb8;
	[tilespmem:$0x1DE00] =	vst v63  }
0x44: {  	_ =	swait.ge [sflag:s21], $0x4000  }
0x45: {  	[sflag:s21] =	ssyncset.done $0x0  }
0x46: {  	s31 =	simm.s32 $0x5000;
	[sflag:s21] =	ssyncadd.s32 $0xFFFFC000  }
0x47: {  	[spmem:s3] =	stream.indirect.scatter.add.f32 [tilespmem:s19], [sflag:$0x3], $0x40, s31, s17, $0xb8;
	[tilespmem:$0x1DE00] =	vst v63  }
0x48: {  	_ =	swait.ge [sflag:s15], $0x4000  }
0x49: {  	[sflag:s15] =	ssyncset.done $0x0  }
0x4a: {  	s26 =	simm.s32 $0x800;
	s28 =	simm.s32 $0x300;
	[sflag:s15] =	ssyncadd.s32 $0xFFFFC000  }
.LBB2_4:
0x4b: {  	[tilespmem:s19], [sflag:$0x2] =	stream.indirect.gather [hbm4b:s1+s17], $0x40, s28, s17, $0xb8;
	[tilespmem:$0x1DE00] =	vst v63  }
0x4c: {  	s28 =	smov.u32 s26  }
0x4d: {  	p0 =	sne.s32 s26, $0x12800;
	s26 =	sadd.s32 $0x800, s26;
	_ =	swait.ge [sflag:s20], $0x4000  }
0x4e: {  	s28 =	sshra.s32 s28, $0x2;
	[sflag:s20] =	ssyncset.done $0x0  }
0x4f: {  	s29 =	sadd.s32 $0x4F00, s28;
	[sflag:s20] =	ssyncadd.s32 $0xFFFFC000  }
0x50: {  	[spmem:s3] =	stream.indirect.scatter.add.f32 [tilespmem:s18], [sflag:$0x3], $0x40, s29, s17, $0xb8;
	[tilespmem:$0x1DE00] =	vst v63  }
0x51: {  	_ =	swait.ge [sflag:s15], $0x4000  }
0x52: {  	[sflag:s15] =	ssyncset.done $0x0  }
0x53: {  	s29 =	sadd.s32 $0x200, s28;
	[sflag:s15] =	ssyncadd.s32 $0xFFFFC000  }
0x54: {  	[tilespmem:s18], [sflag:$0x1] =	stream.indirect.gather [hbm4b:s1+s17], $0x40, s29, s17, $0xb8;
	[tilespmem:$0x1DE00] =	vst v63  }
0x55: {  	_ =	swait.ge [sflag:s21], $0x4000  }
0x56: {  	[sflag:s21] =	ssyncset.done $0x0  }
.Ltmp1:
0x57: {  	s29 =	sadd.s32 $0x5000, s28;
	[sflag:s21] =	ssyncadd.s32 $0xFFFFC000;
	(pc) =	sbr.rel @p0 .LBB2_4-.Ltmp1, $4  }
0x58: {  	[spmem:s3] =	stream.indirect.scatter.add.f32 [tilespmem:s19], [sflag:$0x3], $0x40, s29, s17, $0xb8;
	[tilespmem:$0x1DE00] =	vst v63  }
0x59: {  	_ =	swait.ge [sflag:s15], $0x4000  }
0x5a: {  	[sflag:s15] =	ssyncset.done $0x0  }
0x5b: {  	s28 =	sadd.s32 $0x300, s28;
	[sflag:s15] =	ssyncadd.s32 $0xFFFFC000  }
0x5c: {  	[tilespmem:s19], [sflag:$0x2] =	stream.indirect.gather [hbm4b:s1+s17], $0x40, s28, s17, $0xb8;
	[tilespmem:$0x1DE00] =	vst v63  }
0x5d: {  	_ =	swait.ge [sflag:s20], $0x4000  }
0x5e: {  	[sflag:s20] =	ssyncset.done $0x0  }
0x5f: {  	[sflag:s20] =	ssyncadd.s32 $0xFFFFC000  }
0x60: {  	[spmem:s3] =	stream.indirect.scatter.add.f32 [tilespmem:s18], [sflag:$0x3], $0x40, s22, s17, $0xb8;
	[tilespmem:$0x1DE00] =	vst v63  }
0x61: {  	_ =	swait.ge [sflag:s15], $0x4000  }
0x62: {  	[sflag:s15] =	ssyncset.done $0x0  }
0x63: {  	[sflag:s15] =	ssyncadd.s32 $0xFFFFC000  }
0x64: {  	[tilespmem:s18], [sflag:$0x1] =	stream.indirect.gather [hbm4b:s1+s17], $0x40, s23, s17, $0xb8;
	[tilespmem:$0x1DE00] =	vst v63  }
0x65: {  	_ =	swait.ge [sflag:s21], $0x4000  }
0x66: {  	[sflag:s21] =	ssyncset.done $0x0  }
0x67: {  	[sflag:s21] =	ssyncadd.s32 $0xFFFFC000  }
0x68: {  	[spmem:s3] =	stream.indirect.scatter.add.f32 [tilespmem:s19], [sflag:$0x3], $0x40, s24, s17, $0xb8;
	[tilespmem:$0x1DE00] =	vst v63  }
0x69: {  	_ =	swait.ge [sflag:s15], $0x4000  }
0x6a: {  	[sflag:s15] =	ssyncset.done $0x0  }
0x6b: {  	[sflag:s15] =	ssyncadd.s32 $0xFFFFC000  }
0x6c: {  	_ =	swait.ge [sflag:s20], $0x4000  }
0x6d: {  	[sflag:s20] =	ssyncset.done $0x0  }
0x6e: {  	[sflag:s20] =	ssyncadd.s32 $0xFFFFC000  }
0x6f: {  	[spmem:s3] =	stream.indirect.scatter.add.f32 [tilespmem:s18], [sflag:$0x3], $0x40, s25, s17, $0xb8;
	[tilespmem:$0x1DE00] =	vst v63  }
0x70: {  	_ =	swait.ge [sflag:s15], $0x4000  }
0x71: {  	s26 =	sshll.u32 s0, $0x6;
	s4 =	sadd.s32 $0x1, s4;
	[sflag:s15] =	ssyncset.done $0x0  }
0x72: {  	s31 =	sshrl.u32 s5, $0x3;
	p0 =	sne.s32 s4, s13;
	[sflag:s15] =	ssyncadd.s32 $0xFFFFC000  }
.Ltmp2:
0x73: {  	s26 =	sor.u32 $0x1C03, s26;
	[bflag:$0x0] =	sbarrier.arrive $0xFFFF;
	(pc) =	sbr.rel @p0 .LBB2_1-.Ltmp2, $4  }
0x74: {  	[hbm:s12], [sflag:s26] =	dma.local [spmem:s31], $0x1400  }
0x75: {  	_ =	swait.ge [sflag:s15], $0x1400  }
0x76: {  	[sflag:s15] =	ssyncset.done $0x0  }
0x77: {  	[sflag:s15] =	ssyncadd.s32 $0xFFFFEC00  }
0x78: {  	_ =	sfence.sel $0x180000  }
0x79: {  	[bflag:$0x0] =	sbarrier.arrive $0xFFFF  }
0x7a: {  	p0 =	sne.s32 s0, $0x0;
	_ =	strace $0x9000004D  }
0x7b: {  	s0 =	sadd.s32 @!p0 $0x100000, s2;
	[bflag:$0x2] =	sbarrier.arrive $0xFFFF  }
0x7c: {  	[sflag:s0] =	ssyncadd.tile.s32 @!p0 $0x1;
	_ =	shalt  }
.Lfunc_end2:
_tile_overlayer_lowered:
.L_overlay_start_2:
0x7d: {  	(tag) =	ssettag $0x2  }
0x7e: {  	s0 =	rddreg [dreg:$0x0];
	s2 =	stileid.u32  }
0x7f: {  	s1 =	rddreg [dreg:$0x1];
	p0 =	sne.s32 s2, $0x0  }
0x80: {  	s3 =	rddreg [dreg:$0x2];
	[bflag:$0x3] =	sbarrier.arrive $0xFFFF;
	s2 =	simm.s32 @!p0 $0x1C03  }
0x81: {  	[timem:s3], [sflag:s2] =	dma.local @!p0 [hbm:s0], s1  }
0x82: {  	s0 =	simm.s32 @!p0 $0x3  }
0x83: {  	_ =	swait.ge @!p0 [sflag:s0], s1  }
0x84: {  	s1 =	ssub.s32 @!p0 $0x0, s1;
	[sflag:s0] =	ssyncset.done @!p0 $0x0  }
0x85: {  	[sflag:s0] =	ssyncadd.s32 @!p0 s1  }
0x86: {  	[bflag:$0x3] =	sbarrier.arrive $0xFFFF  }
0x87: {  	_ =	shalt  }

// kernel: kernel.8.cloned.1.call-start
scs
__scs_entry_jumppad:
0x0: {  	(pc) =	sbr.rel $0x88, $3  }
0x1: {  	(tag) =	ssettag $0x0;
	lr =	simm.s32 $0x1  }
0x2: {  	[smem:$0x3F9B] =	sst lr;
	_ =	strace $0xD0000000  }
0x3: {  	_ = 	snop  }
0x4: {  	_ = 	snop  }
0x5: {  	_ = 	snop  }
0x6: {  	_ = 	snop  }
0x7: {  	_ = 	snop  }
__scs_overlays_trampoline_lowered:
0x8: {  	[smem:$0x3FAA] =	sst s0  }
0x9: {  	[smem:$0x3FAB] =	sst s1  }
0xa: {  	[smem:$0x3FAC] =	sst s2  }
0xb: {  	[smem:$0x3FAD] =	sst s3  }
0xc: {  	[smem:$0x3FAE] =	sst s4  }
0xd: {  	[smem:$0x3FAF] =	sst s5  }
0xe: {  	[smem:$0x3FB0] =	sst s6  }
0xf: {  	[smem:$0x3FB1] =	sst s7  }
0x10: {  	[smem:$0x3FB2] =	sst s8  }
0x11: {  	[smem:$0x3FB3] =	sst s9;
	s0 =	simm.s32 @!p0 $0x0  }
0x12: {  	s1 =	sld [smem:$0x3F99];
	s0 =	simm.s32 @p0 $0x1  }
0x13: {  	[smem:$0x3FB4] =	sst s0;
	s0 =	simm.s32 @!p1 $0x0  }
0x14: {  	s2 =	sld [smem:$0x3F98];
	s0 =	simm.s32 @p1 $0x1  }
0x15: {  	[smem:$0x3FB5] =	sst s0;
	s0 =	simm.s32 @!p2 $0x0  }
0x16: {  	s3 =	sld [smem:$0x3FDB];
	s0 =	simm.s32 @p2 $0x1  }
0x17: {  	s4 =	simm.s32 $0x1BF5;
	[smem:$0x3FB7] =	sst s0  }
0x18: {  	s0 =	sld [smem:$0x3F9A];
	_ =	swait.ge [sflag:s4], $0x0  }
0x19: {  	s7 =	sld [smem:$0x3F9B]  }
0x1a: {  	s8 =	sadd.s32 $0xFFFFE003, lr  }
0x1b: {  	s9 =	sadd.s32 $0xFFFFFEF7, lr;
	s5 =	simm.s32 $0xFFFFFFFF;
	p2 =	slt.u32 s8, $0xFFFFF086  }
0x1c: {  	p1 =	slt.u32 s9, $0xF7A;
	s5 =	simm.s32 @!p2 $0x0  }
0x1d: {  	s5 =	simm.s32 @p1 $0x1;
	p0 =	seq.s32 s7, s2  }
0x1e: {  	s7 =	smul.u32 @!p0 $0xF7A, s2;
	p2 =	seq.s32 @!p0 s5, $0x0  }
0x1f: {  	s9 =	smul.u32 $0xF7A, s1;
	s8 =	simm.s32 @!p0 $0x1BF5;
	p2 =	por !p2, p0  }
0x20: {  	[sflag:s8] =	ssyncset.s32 @!p0 $0xFFFFF086;
	s6 =	sadd.s32 @!p0 s3, s7;
	s7 =	simm.s32 @!p0 $0x108  }
0x21: {  	s3 =	sadd.s32 s3, s9;
	s6 =	sadd.s32 @!p0 $0x88, s6;
	s7 =	simm.s32 @p2 $0x1082  }
0x22: {  	[simem:s7], [sflag:s8] =	dma.local @!p0 [hbm:s6], $0xF7A  }
0x23: {  	s9 =	sor.u32 $0xD0000000, s2;
	s6 =	simm.s32 $0x108;
	_ =	swait.ge @!p0 [sflag:s8], $0x0  }
0x24: {  	s3 =	sadd.s32 $0x88, s3;
	s6 =	simm.s32 @!p1 $0x1082;
	[sflag:s4] =	ssyncset.s32 $0xFFFFF086  }
0x25: {  	[simem:s6], [sflag:s4] =	dma.local [hbm:s3], $0xF7A  }
0x26: {  	[smem:$0x3F9B] =	sst s1;
	(tag) =	ssettag s2;
	_ =	strace s9  }
0x27: {  	s1 =	sld [smem:$0x3FAB]  }
0x28: {  	s2 =	sld [smem:$0x3FAC]  }
0x29: {  	s4 =	sld [smem:$0x3FAE]  }
0x2a: {  	p0 =	seq.s32 s5, $0x0;
	s5 =	sld [smem:$0x3FAF]  }
0x2b: {  	s6 =	sld [smem:$0x3FB0]  }
0x2c: {  	s7 =	sld [smem:$0x3FB1]  }
0x2d: {  	s3 =	simm.s32 $0x108;
	s8 =	sld [smem:$0x3FB2]  }
0x2e: {  	s3 =	simm.s32 @!p0 $0x1082;
	s9 =	sld [smem:$0x3FB3]  }
0x2f: {  	lr =	sadd.s32 s0, s3;
	s0 =	sld [smem:$0x3FAA]  }
0x30: {  	s3 =	sld [smem:$0x3FAD]  }
0x31: {  	[smem:$0x3FB6] =	sst s10  }
0x32: {  	s10 =	sld [smem:$0x3FB4];
	_ =	sdelay $0x3  }
0x33: {  	p0 =	seq.s32 s10, $0x1;
	s10 =	sld [smem:$0x3FB6];
	_ =	sdelay $0x3  }
0x34: {  	[smem:$0x3FB6] =	sst s10  }
0x35: {  	s10 =	sld [smem:$0x3FB5];
	_ =	sdelay $0x3  }
0x36: {  	p1 =	seq.s32 s10, $0x1;
	s10 =	sld [smem:$0x3FB6];
	_ =	sdelay $0x3  }
0x37: {  	[smem:$0x3FB6] =	sst s10  }
0x38: {  	s10 =	sld [smem:$0x3FB7]  }
0x39: {  	_ = 	snop;
	(pc) =	sbr.ind lr, $3  }
0x3a: {  	_ = 	snop  }
0x3b: {  	_ = 	snop  }
0x3c: {  	p2 =	seq.s32 s10, $0x1;
	s10 =	sld [smem:$0x3FB6]  }
0x3d: {  	_ =	shalt  }
0x3e: {  	_ =	shalt  }
0x3f: {  	_ =	shalt  }
0x40: {  	_ =	shalt  }
0x41: {  	_ =	shalt  }
0x42: {  	_ =	shalt  }
0x43: {  	_ =	shalt  }
0x44: {  	_ =	shalt  }
0x45: {  	_ =	shalt  }
0x46: {  	_ =	shalt  }
0x47: {  	_ =	shalt  }
0x48: {  	_ =	shalt  }
0x49: {  	_ =	shalt  }
0x4a: {  	_ =	shalt  }
0x4b: {  	_ =	shalt  }
0x4c: {  	_ =	shalt  }
0x4d: {  	_ =	shalt  }
0x4e: {  	_ =	shalt  }
0x4f: {  	_ =	shalt  }
0x50: {  	_ =	shalt  }
0x51: {  	_ =	shalt  }
0x52: {  	_ =	shalt  }
0x53: {  	_ =	shalt  }
0x54: {  	_ =	shalt  }
0x55: {  	_ =	shalt  }
0x56: {  	_ =	shalt  }
0x57: {  	_ =	shalt  }
0x58: {  	_ =	shalt  }
0x59: {  	_ =	shalt  }
0x5a: {  	_ =	shalt  }
0x5b: {  	_ =	shalt  }
0x5c: {  	_ =	shalt  }
0x5d: {  	_ =	shalt  }
0x5e: {  	_ =	shalt  }
0x5f: {  	_ =	shalt  }
0x60: {  	_ =	shalt  }
0x61: {  	_ =	shalt  }
0x62: {  	_ =	shalt  }
0x63: {  	_ =	shalt  }
0x64: {  	_ =	shalt  }
0x65: {  	_ =	shalt  }
0x66: {  	_ =	shalt  }
0x67: {  	_ =	shalt  }
0x68: {  	_ =	shalt  }
0x69: {  	_ =	shalt  }
0x6a: {  	_ =	shalt  }
0x6b: {  	_ =	shalt  }
0x6c: {  	_ =	shalt  }
0x6d: {  	_ =	shalt  }
0x6e: {  	_ =	shalt  }
0x6f: {  	_ =	shalt  }
0x70: {  	_ =	shalt  }
0x71: {  	_ =	shalt  }
0x72: {  	_ =	shalt  }
0x73: {  	_ =	shalt  }
0x74: {  	_ =	shalt  }
0x75: {  	_ =	shalt  }
0x76: {  	_ =	shalt  }
0x77: {  	_ =	shalt  }
0x78: {  	_ =	shalt  }
0x79: {  	_ =	shalt  }
0x7a: {  	_ =	shalt  }
0x7b: {  	_ =	shalt  }
0x7c: {  	_ =	shalt  }
0x7d: {  	_ =	shalt  }
0x7e: {  	_ =	shalt  }
0x7f: {  	_ =	shalt  }
0x80: {  	_ =	shalt  }
0x81: {  	_ =	shalt  }
0x82: {  	_ =	shalt  }
0x83: {  	_ =	shalt  }
0x84: {  	_ =	shalt  }
0x85: {  	_ =	shalt  }
0x86: {  	_ =	shalt  }
0x87: {  	_ =	shalt  }
.Lfunc_end0:
.L_simem_size_0:
called_computation_lowered:
.L_overlay_start_0:
0x88: {  	s2 =	sld [smem:$0x3FD9]  }
0x89: {  	s3 =	sld [smem:$0x3FFE];
	_ =	sdelay $0x1  }
0x8a: {  	s1 =	srdreg.scid  }
0x8b: {  	s0 =	sand.u32 $0x1, s1  }
0x8c: {  	s17 =	sshll.u32 s0, $0xA;
	s2 =	sadd.s32 s3, s2  }
0x8d: {  	s2 =	sadd.s32 s2, s17  }
0x8e: {  	[smem:$0x3FC2] =	sst s2  }
0x8f: {  	_ = 	snop  }
0x90: {  	s2 =	sld [smem:$0x3FD0];
	(tm) =	ssettm $0x1  }
0x91: {  	s18 =	sld [smem:$0x3FFB];
	_ =	sdelay $0x3  }
0x92: {  	_ =	strace s18  }
0x93: {  	s3 =	sld [smem:$0x3FFC];
	_ =	sdelay $0x3  }
0x94: {  	_ =	strace s3  }
0x95: {  	s3 =	sld [smem:$0x3FFD];
	_ =	sdelay $0x3  }
0x96: {  	_ =	strace s3  }
0x97: {  	_ =	strace $0x8FFFFFFF  }
0x98: {  	s19 =	sld [smem:$0x3FDB];
	_ =	sdelay $0x1  }
0x99: {  	s4 =	simm.s32 $_scs_section_size  }
0x9a: {  	s5 =	simm.s32 $_size__tile_overlayer_lowered;
	s6 =	simm.s32 $_tile_overlayer_lowered  }
0x9b: {  	s22 =	simm.s32 $0x1BFF;
	s21 =	sshll.u32 s6, $0x1;
	s3 =	sadd.s32 s4, s19  }
0x9c: {  	s7 =	simm.s32 $0x0;
	s20 =	sshll.u32 s5, $0x1;
	s5 =	sadd.s32 s21, s3  }
0x9d: {  	[timem:s7], [sflag:s22] =	dma.local [hbm:s5], s20  }
0x9e: {  	_ =	swait.ge [sflag:s22], s20  }
0x9f: {  	s4 =	ssub.s32 $0x0, s20;
	[sflag:s22] =	ssyncset.done $0x0  }
0xa0: {  	[sflag:s22] =	ssyncadd.s32 s4;
	_ =	sdelay $0x1  }
0xa1: {  	s23 =	simm.s32 $0x1B8B  }
0xa2: {  	_ =	swait.ge [sflag:s23], $0x1  }
0xa3: {  	[sflag:s23] =	ssyncset.done $0x0  }
0xa4: {  	s25 =	simm.s32 $0x1B8E;
	s24 =	sld [smem:$0x3FFE];
	[sflag:s23] =	ssyncadd.s32 $0xFFFFFFFF  }
0xa5: {  	s26 =	simm.s32 $execute0_lowered;
	[smem:$0x3FD2] =	sst s25  }
0xa6: {  	s5 =	sshll.u32 s26, $0x1;
	_ =	strace $0x80000046;
	[dreg:$0x1] =	wrdreg $0xFFFFFFFF  }
0xa7: {  	s28 =	simm.s32 $_size_execute0_lowered;
	s3 =	sadd.s32 s3, s5;
	[dreg:$0x0] =	wrdreg $0x0  }
0xa8: {  	s5 =	sshll.u32 s28, $0x1;
	[dreg:$0x2] =	wrdreg s3  }
0xa9: {  	[dreg:$0x3] =	wrdreg s5  }
0xaa: {  	[dreg:$0x4] =	wrdreg $0xC0  }
0xab: {  	_ =	task [dreg:s7], $0x5FFFF  }
0xac: {  	[dreg:$0x1] =	wrdreg $0xFFFFFFFF  }
0xad: {  	[dreg:$0x0] =	wrdreg $0x60  }
0xae: {  	[dreg:$0x2] =	wrdreg s2  }
0xaf: {  	[dreg:$0x3] =	wrdreg s24  }
0xb0: {  	[dreg:$0x4] =	wrdreg $0x29E00  }
0xb1: {  	[dreg:$0x5] =	wrdreg $0x9  }
0xb2: {  	_ =	task.clear_ibuf [dreg:s7], $0x6FFFF;
	_ =	strace $0x90000046  }
0xb3: {  	s29 =	simm.s32 $0x9;
	_ =	strace $0x80000048  }
0xb4: {  	_ =	swait.ge [sflag:s29], $0x1  }
0xb5: {  	[sflag:s29] =	ssyncadd.s32 $0xFFFFFFFF  }
0xb6: {  	_ =	strace $0x90000048  }
0xb7: {  	_ =	sfence  }
0xb8: {  	s30 =	sld [smem:$0x0];
	_ =	sdelay $0x2  }
0xb9: {  	s31 =	sshll.u32 s1, $0xD;
	s1 =	sshrl.u32 s1, $0x2  }
0xba: {  	s3 =	sand.u32 $0x4000, s31;
	s1 =	sadd.s32 s1, s30  }
0xbb: {  	s0 =	sor.u32 s3, s0;
	s1 =	sshll.u32 s1, $0x11  }
0xbc: {  	s0 =	sor.u32 s1, s0  }
0xbd: {  	s0 =	sadd.s32 $0x8F2B, s0  }
0xbe: {  	[sflag:s0] =	ssyncadd.remote.s32 $0x1  }
0xbf: {  	_ =	sfence.sel $0xFFFF  }
0xc0: {  	[dreg:$0x0] =	wrdreg $0xFFFFFFFF;
	(pc) =	sbr.abs _section_cstart, $3  }
0xc1: {  	[dreg:$0x1] =	wrdreg $0xFFFFFFFF  }
0xc2: {  	_ =	task.clear_ibuf [dreg:s7], $0x2FFFF;
	_ =	strace $0x9FFFFFFF  }
0xc3: {  	(tm) =	ssettm $0x7FFFFFFF  }
tec
execute0_lowered:
.L_overlay_start_1:
0x0: {  	(tag) =	ssettag $0x1  }
0x1: {  	s5 =	rddreg [dreg:$0x0]  }
0x2: {  	s1 =	srdreg.scid;
	s4 =	rddreg [dreg:$0x1]  }
0x3: {  	s0 =	stileid.u32;
	s2 =	rddreg [dreg:$0x2]  }
0x4: {  	s3 =	simm.s32 $0x0;
	s13 =	simm.s32 $0x0;
	s6 =	sand.u32 $0x1, s1  }
0x5: {  	s7 =	smul.u32 $0x280, s0;
	s1 =	rddreg [dreg:$0x3];
	s9 =	sshll.u32 s0, $0x1  }
0x6: {  	[smem:$0x7FF] =	sst s3;
	s11 =	sshll.u32 s0, $0x6;
	s8 =	smul.u32 $0x2800, s6  }
0x7: {  	s9 =	sor.u32 s6, s9;
	s6 =	ssub.s32 $0x2, s6;
	_ =	strace $0x80000047  }
0x8: {  	s9 =	smul.u32 $0x4E2, s9;
	s31 =	sshrl.u32 s6, $0x1;
	s8 =	sadd.s32 s7, s8  }
0x9: {  	s11 =	sor.u32 $0x1C01, s11;
	s10 =	ssub.s32 s6, s31;
	s8 =	sshrl.u32 s8, $0x3  }
0xa: {  	s5 =	sadd.s32 s5, s9;
	s9 =	simm.s32 $0x1;
	s8 =	sadd.s32 s8, s4  }
0xb: {  	s4 =	sadd.s32 s7, s2;
	s7 =	smax.u32 s10, $0x1;
	s10 =	simm.s32 $0x50  }
0xc: {  	v0 =	vimm.f32 $1.000000000e+00;
	v1 =	vimm.f32 $0.0e+00;
	s6 =	sadd.s32 $0x1800, s8;
	s8 =	simm.s32 $0x2760;
	s12 =	sshrl.u32 s4, $0x3  }
.LBB2_1:
0xd: {  	[tilespmem:$0x0] =	vst v0  }
0xe: {  	[tilespmem:$0x10] =	vst v0  }
0xf: {  	[tilespmem:$0x20] =	vst v0  }
0x10: {  	[tilespmem:$0x30] =	vst v0  }
0x11: {  	[tilespmem:$0x40] =	vst v0  }
0x12: {  	[tilespmem:$0x2760] =	vst v1  }
0x13: {  	[tilespmem:$0x2770] =	vst v1  }
0x14: {  	[tilespmem:$0x2780] =	vst v1  }
0x15: {  	[tilespmem:$0x2790] =	vst v1  }
0x16: {  	[tilespmem:$0x27A0] =	vst v1  }
0x17: {  	[tilespmem:$0x27B0] =	vst v1  }
0x18: {  	[tilespmem:$0x27C0] =	vst v1  }
0x19: {  	[tilespmem:$0x27D0] =	vst v1  }
0x1a: {  	[tilespmem:$0x27E0] =	vst v1  }
0x1b: {  	[tilespmem:$0x27F0] =	vst v1  }
0x1c: {  	[tilespmem:$0x2800] =	vst v1  }
0x1d: {  	[tilespmem:$0x2810] =	vst v1  }
0x1e: {  	[tilespmem:$0x2820] =	vst v1  }
0x1f: {  	[tilespmem:$0x2830] =	vst v1  }
0x20: {  	[tilespmem:$0x2840] =	vst v1  }
0x21: {  	[tilespmem:$0x2850] =	vst v1  }
0x22: {  	[tilespmem:$0x2860] =	vst v1  }
0x23: {  	[tilespmem:$0x2870] =	vst v1  }
0x24: {  	[tilespmem:$0x2880] =	vst v1  }
0x25: {  	[tilespmem:$0x2890] =	vst v1  }
0x26: {  	[tilespmem:$0x28A0] =	vst v1  }
0x27: {  	[tilespmem:$0x28B0] =	vst v1  }
0x28: {  	[tilespmem:$0x28C0] =	vst v1  }
0x29: {  	[tilespmem:$0x28D0] =	vst v1  }
0x2a: {  	[tilespmem:$0x28E0] =	vst v1  }
0x2b: {  	[tilespmem:$0x28F0] =	vst v1  }
0x2c: {  	[tilespmem:$0x2900] =	vst v1  }
0x2d: {  	[tilespmem:$0x2910] =	vst v1  }
0x2e: {  	[tilespmem:$0x2920] =	vst v1  }
0x2f: {  	[tilespmem:$0x2930] =	vst v1  }
0x30: {  	[tilespmem:$0x2940] =	vst v1  }
0x31: {  	[tilespmem:$0x2950] =	vst v1  }
0x32: {  	[tilespmem:$0x2960] =	vst v1  }
0x33: {  	[tilespmem:$0x2970] =	vst v1  }
0x34: {  	[tilespmem:$0x2980] =	vst v1  }
0x35: {  	[tilespmem:$0x2990] =	vst v1  }
0x36: {  	[tilespmem:$0x29A0] =	vst v1  }
0x37: {  	[tilespmem:$0x29B0] =	vst v1  }
0x38: {  	[tilespmem:$0x29C0] =	vst v1  }
0x39: {  	[tilespmem:$0x29D0] =	vst v1  }
0x3a: {  	[spmem:s4] =	stream.linear.scatter [tilespmem:s8], [sflag:$0x1], $0x280, $0x38;
	[tilespmem:$0x2C60] =	vst v63  }
0x3b: {  	_ =	swait.ge [sflag:s9], $0x280  }
0x3c: {  	[sflag:s9] =	ssyncset.done $0x0  }
0x3d: {  	[sflag:s9] =	ssyncadd.s32 $0xFFFFFD80  }
0x3e: {  	[bflag:$0x0] =	sbarrier.arrive $0xFFFF  }
0x3f: {  	[tilespmem:s10], [sflag:$0x1] =	stream.linear.gather [hbm4b:s5+s3], $0x2710, $0x38;
	[tilespmem:$0x2C60] =	vst v63  }
0x40: {  	_ =	swait.ge [sflag:s9], $0x2710  }
0x41: {  	[sflag:s9] =	ssyncset.done $0x0  }
0x42: {  	s14 =	simm.s32 $0x50;
	[sflag:s9] =	ssyncadd.s32 $0xFFFFD8F0  }
0x43: {  	[spmem:s2] =	stream.indirect.scatter.add.f32 [tilespmem:s3], [sflag:$0x1], $0x1, s14, s10, $0xb8;
	[tilespmem:$0x2C60] =	vst v63  }
0x44: {  	s14 =	simm.s32 $0x140;
	_ =	swait.ge [sflag:s9], $0x50  }
.LBB2_2:
0x45: {  	s15 =	sshra.s32 s14, $0x2;
	[sflag:s9] =	ssyncset.done $0x0;
	p0 =	sne.s32 s14, $0x9B00  }
.Ltmp0:
0x46: {  	s15 =	sadd.s32 $0x50, s15;
	[sflag:s9] =	ssyncadd.s32 $0xFFFFFFB0;
	(pc) =	sbr.rel @p0 .LBB2_2-.Ltmp0, $3  }
0x47: {  	[spmem:s2] =	stream.indirect.scatter.add.f32 [tilespmem:s3], [sflag:$0x1], $0x1, s15, s10, $0xb8;
	[tilespmem:$0x2C60] =	vst v63  }
0x48: {  	s14 =	sadd.s32 $0x140, s14;
	_ =	sdelay $0x1  }
0x49: {  	_ =	swait.ge [sflag:s9], $0x50  }
0x4a: {  	[sflag:s9] =	ssyncset.done $0x0;
	s13 =	sadd.s32 $0x1, s13  }
0x4b: {  	[sflag:s9] =	ssyncadd.s32 $0xFFFFFFB0;
	p0 =	sne.s32 s13, s7  }
.Ltmp1:
0x4c: {  	[bflag:$0x0] =	sbarrier.arrive $0xFFFF;
	(pc) =	sbr.rel @p0 .LBB2_1-.Ltmp1, $4  }
0x4d: {  	[hbm:s6], [sflag:s11] =	dma.local [spmem:s12], $0x50  }
0x4e: {  	_ =	swait.ge [sflag:s9], $0x50  }
0x4f: {  	[sflag:s9] =	ssyncset.done $0x0  }
0x50: {  	[sflag:s9] =	ssyncadd.s32 $0xFFFFFFB0  }
0x51: {  	_ =	sfence.sel $0x180000  }
0x52: {  	[bflag:$0x0] =	sbarrier.arrive $0xFFFF  }
0x53: {  	p0 =	sne.s32 s0, $0x0;
	_ =	strace $0x90000047  }
0x54: {  	s0 =	sadd.s32 @!p0 $0x100000, s1;
	[bflag:$0x2] =	sbarrier.arrive $0xFFFF  }
0x55: {  	[sflag:s0] =	ssyncadd.tile.s32 @!p0 $0x1;
	_ =	shalt  }
.Lfunc_end2:
_tile_overlayer_lowered:
.L_overlay_start_2:
0x56: {  	(tag) =	ssettag $0x2  }
0x57: {  	s0 =	rddreg [dreg:$0x0];
	s2 =	stileid.u32  }
0x58: {  	s1 =	rddreg [dreg:$0x1];
	p0 =	sne.s32 s2, $0x0  }
0x59: {  	s3 =	rddreg [dreg:$0x2];
	[bflag:$0x3] =	sbarrier.arrive $0xFFFF;
	s2 =	simm.s32 @!p0 $0x1C01  }
0x5a: {  	[timem:s3], [sflag:s2] =	dma.local @!p0 [hbm:s0], s1  }
0x5b: {  	s0 =	simm.s32 @!p0 $0x1  }
0x5c: {  	_ =	swait.ge @!p0 [sflag:s0], s1  }
0x5d: {  	s1 =	ssub.s32 @!p0 $0x0, s1;
	[sflag:s0] =	ssyncset.done @!p0 $0x0  }
0x5e: {  	[sflag:s0] =	ssyncadd.s32 @!p0 s1  }
0x5f: {  	[bflag:$0x3] =	sbarrier.arrive $0xFFFF  }
0x60: {  	_ =	shalt  }

</sc_bundles>
